<compile_context>
chip_gen: v7x
topology: tpu7x:2x2x1
jax: 0.10.2.dev20260603
libtpu: 0.0.44.dev20260713+nightly
codegen_flags: <defaults>
</compile_context>

<pallas_src>
import functools

import jax
import jax.numpy as jnp
from jax import lax
from jax.experimental import pallas as pl
from jax.experimental.pallas import tpu as pltpu
from jax.experimental.pallas import tpu_sc as plsc

N = 10000
D = 128
E = 320000
NPAD = 10240
B_E = 128
NBP = 2560
E_PAD = NBP * B_E
NB_W = NBP // 32
ROWS_T = NPAD // 16
HALF = 40

_mesh = plsc.VectorSubcoreMesh(core_axis_name="c", subcore_axis_name="s")


@functools.partial(
    pl.kernel,
    out_type=jax.ShapeDtypeStruct((2 * NPAD,), jnp.float32),
    mesh=_mesh,
    scratch_types=[
        pltpu.VMEM((2 * NB_W, B_E), jnp.int32),
        pltpu.VMEM((B_E,), jnp.float32),
        pltpu.VMEM((ROWS_T,), jnp.float32),
        pltpu.VMEM_SHARED((NPAD,), jnp.float32),
        pltpu.SemaphoreType.DMA,
    ],
)
def _degrees_kernel(ei_cat, out, idx_v, ones_v, zbuf, deg_sh, sem):
    cid = lax.axis_index("c")
    sid = lax.axis_index("s")
    nb_t = 2 * NB_W

    def zb(i, c):
        zbuf[pl.ds(i * 16, 16)] = jnp.zeros((16,), jnp.float32)
        return c

    lax.fori_loop(0, ROWS_T // 16, zb, 0)
    for k in range(B_E // 16):
        ones_v[pl.ds(k * 16, 16)] = jnp.ones((16,), jnp.float32)
    pltpu.sync_copy(zbuf, deg_sh.at[pl.ds(sid * ROWS_T, ROWS_T)])
    pltpu.sync_copy(ei_cat.at[pl.ds(cid * NBP + sid * nb_t, nb_t)], idx_v)
    plsc.subcore_barrier()

    def fire(j, c):
        pltpu.async_copy(ones_v, deg_sh.at[idx_v.at[j]], sem, add=True)
        return c

    lax.fori_loop(0, nb_t, fire, 0)

    def drain(j, c):
        pltpu.make_async_copy(ones_v, deg_sh.at[idx_v.at[0]], sem).wait()
        return c

    lax.fori_loop(0, nb_t, drain, 0)
    plsc.subcore_barrier()
    base = cid * NPAD + sid * ROWS_T
    pltpu.sync_copy(deg_sh.at[pl.ds(sid * ROWS_T, ROWS_T)], zbuf)
    pltpu.sync_copy(zbuf, out.at[pl.ds(base, ROWS_T)])


@functools.partial(
    pl.kernel,
    out_type=jax.ShapeDtypeStruct((2, NPAD, D), jnp.float32),
    mesh=_mesh,
    scratch_types=[
        pltpu.VMEM((HALF, B_E), jnp.int32),
        pltpu.VMEM((HALF, B_E), jnp.int32),
        pltpu.VMEM((B_E, D), jnp.float32),
        pltpu.VMEM((B_E, D), jnp.float32),
        pltpu.VMEM_SHARED((NPAD, D), jnp.float32),
        pltpu.SemaphoreType.DMA,
        pltpu.SemaphoreType.DMA,
        pltpu.SemaphoreType.DMA,
        pltpu.SemaphoreType.DMA,
    ],
)
def _aggregate_kernel(h, src_r, dst_r, agg_out, idx_src, idx_dst,
                      rows_a, rows_b, agg_sh,
                      sem_a, sem_b, sem_sa, sem_sb):
    cid = lax.axis_index("c")
    sid = lax.axis_index("s")
    wid = cid * 16 + sid

    def za(i, c):
        for k in range(D // 16):
            rows_a[i, pl.ds(k * 16, 16)] = jnp.zeros((16,), jnp.float32)
        return c

    lax.fori_loop(0, B_E, za, 0)
    for k in range(ROWS_T // B_E):
        pltpu.sync_copy(rows_a, agg_sh.at[pl.ds(sid * ROWS_T + k * B_E, B_E)])
    plsc.subcore_barrier()

    def start_a(j):
        pltpu.async_copy(h.at[idx_src.at[j]], rows_a, sem_a)

    def start_b(j):
        pltpu.async_copy(h.at[idx_src.at[j]], rows_b, sem_b)

    def wait_a():
        pltpu.make_async_copy(h.at[idx_src.at[0]], rows_a, sem_a).wait()

    def wait_b():
        pltpu.make_async_copy(h.at[idx_src.at[0]], rows_b, sem_b).wait()

    def scat_a(j):
        pltpu.async_copy(rows_a, agg_sh.at[idx_dst.at[j]], sem_sa, add=True)

    def scat_b(j):
        pltpu.async_copy(rows_b, agg_sh.at[idx_dst.at[j]], sem_sb, add=True)

    def wait_sa():
        pltpu.make_async_copy(rows_a, agg_sh.at[idx_dst.at[0]],
                              sem_sa).wait()

    def wait_sb():
        pltpu.make_async_copy(rows_b, agg_sh.at[idx_dst.at[0]],
                              sem_sb).wait()

    for half in range(NB_W // HALF):
        pltpu.sync_copy(src_r.at[pl.ds(wid * NB_W + half * HALF, HALF)],
                        idx_src)
        pltpu.sync_copy(dst_r.at[pl.ds(wid * NB_W + half * HALF, HALF)],
                        idx_dst)
        start_a(0)
        start_b(1)

        def body(g, c):
            wait_a()
            scat_a(2 * g)
            wait_sa()
            start_a(2 * g + 2)
            wait_b()
            scat_b(2 * g + 1)
            wait_sb()
            start_b(2 * g + 3)
            return c

        lax.fori_loop(0, HALF // 2 - 1, body, 0)
        wait_a()
        scat_a(HALF - 2)
        wait_b()
        scat_b(HALF - 1)
        wait_sa()
        wait_sb()

    plsc.subcore_barrier()
    pltpu.sync_copy(agg_sh.at[pl.ds(sid * ROWS_T, ROWS_T)],
                    agg_out.at[cid, pl.ds(sid * ROWS_T, ROWS_T)])


def _scale_body(x_ref, dg_ref, h_ref):
    s = lax.rsqrt(jnp.maximum(dg_ref[...], 1.0))
    h_ref[:N, :] = x_ref[...] * s
    h_ref[N:, :] = jnp.zeros((NPAD - N, D), jnp.float32)


_scale = pl.pallas_call(
    _scale_body,
    out_shape=jax.ShapeDtypeStruct((NPAD, D), jnp.float32),
)


def _finish_body(aggp_ref, di_ref, w_ref, b_ref, x_ref, o_ref):
    agg = aggp_ref[0, :N, :] + aggp_ref[1, :N, :]
    s = lax.rsqrt(jnp.maximum(di_ref[...], 1.0))
    x1 = jnp.dot(agg * s, w_ref[...], preferred_element_type=jnp.float32)
    x1 = x1 + b_ref[...]
    mean = jnp.mean(x1, axis=1, keepdims=True)
    var = jnp.mean(x1 * x1, axis=1, keepdims=True) - mean * mean
    y = jnp.maximum((x1 - mean) * lax.rsqrt(var + 1e-5), 0.0)
    o_ref[...] = y + x_ref[...]


_finish = pl.pallas_call(
    _finish_body,
    out_shape=jax.ShapeDtypeStruct((N, D), jnp.float32),
)


def kernel(x, edge_index, W, b):
    pad = (N + (jnp.arange(E_PAD - E, dtype=jnp.int32) % (NPAD - N)))
    ei_p = jnp.concatenate([edge_index, jnp.stack([pad, pad])], axis=1)
    src_r = ei_p[0].reshape(NBP, B_E)
    dst_r = ei_p[1].reshape(NBP, B_E)
    degf = _degrees_kernel(ei_p.reshape(2 * NBP, B_E))
    dout = degf[:N].reshape(N, 1)
    din = degf[NPAD:NPAD + N].reshape(N, 1)
    h = _scale(x, dout)
    aggp = _aggregate_kernel(h, src_r, dst_r)
    return _finish(aggp, din, W, b.reshape(1, D), x)

# --- scband reference (transcript-rebuilt; emitter-appended) ---
"""Pipeline reference for scband-gnnbasic-block-31121333027067 (READ-ONLY COPY).

The authoritative reference and input builder live on the scoring server;
editing this copy changes nothing except your own understanding.
"""

import jax, jax.numpy as jnp
import numpy as np

N = 10000
E = 320000
D = 128

def setup_inputs(seed: int = 0) -> dict:
    key = jax.random.key(seed)
    k1, k2, k3, k4 = jax.random.split(key, 4)
    x = jax.random.normal(k1, (N, D), dtype=jnp.float32)
    edge_index = jax.random.randint(k2, (2, E), 0, N, dtype=jnp.int32)
    # GraphConv weight [in_channels, out_channels] and bias [out_channels]
    W = jax.random.normal(k3, (D, D), dtype=jnp.float32) * 0.05
    b = jnp.zeros((D,), dtype=jnp.float32)
    return {"x": x, "edge_index": edge_index, "W": W, "b": b}

def reference(x, edge_index, W, b):
    # DGL GraphConv with norm='both':
    #   h_v = ( sum_{(u->v) in E} x_u / sqrt(d_out(u)) ) / sqrt(d_in(v)) @ W + b
    src = edge_index[0]
    dst = edge_index[1]
    ones = jnp.ones((src.shape[0],), dtype=x.dtype)
    deg_out = jax.ops.segment_sum(ones, src, num_segments=N)
    deg_in = jax.ops.segment_sum(ones, dst, num_segments=N)
    norm_src = jax.lax.rsqrt(jnp.maximum(deg_out, 1.0))
    norm_dst = jax.lax.rsqrt(jnp.maximum(deg_in, 1.0))
    h = x * norm_src[:, None]
    msg = jnp.take(h, src, axis=0)              # gather over edges
    agg = jax.ops.segment_sum(msg, dst, num_segments=N)  # scatter-add to dst nodes
    agg = agg * norm_dst[:, None]
    x1 = agg @ W + b
    # block_type 'n_a_r': NodeNorm -> ReLU -> residual add
    mean = jnp.mean(x1, axis=1, keepdims=True)
    var = jnp.var(x1, axis=1, keepdims=True)    # biased (unbiased=False)
    std = jnp.sqrt(var + 1e-5)
    x1 = (x1 - mean) / std
    x1 = jax.nn.relu(x1)
    return x1 + x

if __name__ == "__main__":
    import jax
    _d = setup_inputs()
    print(jax.jit(kernel)(*tuple(_d.values())))

</pallas_src>

<mosaic_0001>
#map = affine_map<(d0, d1) -> (0, 0)>
#map1 = affine_map<(d0, d1) -> (0)>
module attributes {stable_mosaic.version = 14 : i64} {
  func.func @_degrees_kernel(%arg0: i32, %arg1: i32, %arg2: memref<5120x128xi32, #tpu.memory_space<hbm>>, %arg3: memref<20480xf32, #tpu.memory_space<hbm>>, %arg4: memref<160x128xi32, #tpu.memory_space<vmem>>, %arg5: memref<128xf32, #tpu.memory_space<vmem>>, %arg6: memref<640xf32, #tpu.memory_space<vmem>>, %arg7: memref<10240xf32, #tpu.memory_space<vmem_shared>>, %arg8: memref<!tpu.dma_semaphore, #tpu.memory_space<semaphore_mem>>) attributes {dimension_semantics = [#tpu.dimension_semantics<core_parallel>, #tpu.dimension_semantics<subcore_parallel>], iteration_bounds = array<i64: 2, 16>, scalar_prefetch = 0 : i64, scratch_operands = 5 : i64, tpu.core_type = #tpu.core_type<sc_vector_subcore>, window_params = [{transform_indices = #map}, {transform_indices = #map1}]} {
    %scan3A = arith.constant 0 : i32
    %scan3A_0 = arith.constant 0 : i32
    %scan3A_1 = arith.constant 40 : i32
    %scan3A_2 = arith.addi %scan3A_0, %scan3A_1 : i32
    %scan3A_3 = arith.constant 1 : i32
    scf.for %scan3A_76 = %scan3A_0 to %scan3A_2 step %scan3A_3  : i32 {
      %broadcast_in_dim3A_77 = arith.constant 0.000000e+00 : f32
      %broadcast_in_dim3A_78 = vector.broadcast %broadcast_in_dim3A_77 : f32 to vector<16xf32>
      %mul3A_79 = arith.constant 16 : i32
      %mul3A_80 = arith.muli %scan3A_76, %mul3A_79 : i32
      %swap3A_81 = arith.index_cast %mul3A_80 : i32 to index
      %swap3A_82 = tpu.vector_load %arg6[%swap3A_81] {strides = array<i32>} : memref<640xf32, #tpu.memory_space<vmem>>, vector<16xf32>,
      %swap3A_83 = vector.shape_cast %swap3A_82 : vector<16xf32> to vector<16xf32>
      %swap3A_84 = vector.shape_cast %broadcast_in_dim3A_78 : vector<16xf32> to vector<16xf32>
      tpu.vector_store %arg6[%swap3A_81], %swap3A_84 {strides = array<i32>} : memref<640xf32, #tpu.memory_space<vmem>>, vector<16xf32>,
    }
    %scan3A_4 = arith.constant 40 : i32
    %broadcast_in_dim3A = arith.constant 1.000000e+00 : f32
    %broadcast_in_dim3A_5 = vector.broadcast %broadcast_in_dim3A : f32 to vector<16xf32>
    %swap3A = arith.constant 0 : index
    %swap3A_6 = tpu.vector_load %arg5[%swap3A] {strides = array<i32>} : memref<128xf32, #tpu.memory_space<vmem>>, vector<16xf32>,
    %swap3A_7 = vector.shape_cast %swap3A_6 : vector<16xf32> to vector<16xf32>
    %swap3A_8 = vector.shape_cast %broadcast_in_dim3A_5 : vector<16xf32> to vector<16xf32>
    tpu.vector_store %arg5[%swap3A], %swap3A_8 {strides = array<i32>} : memref<128xf32, #tpu.memory_space<vmem>>, vector<16xf32>,
    %broadcast_in_dim3A_9 = arith.constant 1.000000e+00 : f32
    %broadcast_in_dim3A_10 = vector.broadcast %broadcast_in_dim3A_9 : f32 to vector<16xf32>
    %swap3A_11 = arith.constant 16 : index
    %swap3A_12 = tpu.vector_load %arg5[%swap3A_11] {strides = array<i32>} : memref<128xf32, #tpu.memory_space<vmem>>, vector<16xf32>,
    %swap3A_13 = vector.shape_cast %swap3A_12 : vector<16xf32> to vector<16xf32>
    %swap3A_14 = vector.shape_cast %broadcast_in_dim3A_10 : vector<16xf32> to vector<16xf32>
    tpu.vector_store %arg5[%swap3A_11], %swap3A_14 {strides = array<i32>} : memref<128xf32, #tpu.memory_space<vmem>>, vector<16xf32>,
    %broadcast_in_dim3A_15 = arith.constant 1.000000e+00 : f32
    %broadcast_in_dim3A_16 = vector.broadcast %broadcast_in_dim3A_15 : f32 to vector<16xf32>
    %swap3A_17 = arith.constant 32 : index
    %swap3A_18 = tpu.vector_load %arg5[%swap3A_17] {strides = array<i32>} : memref<128xf32, #tpu.memory_space<vmem>>, vector<16xf32>,
    %swap3A_19 = vector.shape_cast %swap3A_18 : vector<16xf32> to vector<16xf32>
    %swap3A_20 = vector.shape_cast %broadcast_in_dim3A_16 : vector<16xf32> to vector<16xf32>
    tpu.vector_store %arg5[%swap3A_17], %swap3A_20 {strides = array<i32>} : memref<128xf32, #tpu.memory_space<vmem>>, vector<16xf32>,
    %broadcast_in_dim3A_21 = arith.constant 1.000000e+00 : f32
    %broadcast_in_dim3A_22 = vector.broadcast %broadcast_in_dim3A_21 : f32 to vector<16xf32>
    %swap3A_23 = arith.constant 48 : index
    %swap3A_24 = tpu.vector_load %arg5[%swap3A_23] {strides = array<i32>} : memref<128xf32, #tpu.memory_space<vmem>>, vector<16xf32>,
    %swap3A_25 = vector.shape_cast %swap3A_24 : vector<16xf32> to vector<16xf32>
    %swap3A_26 = vector.shape_cast %broadcast_in_dim3A_22 : vector<16xf32> to vector<16xf32>
    tpu.vector_store %arg5[%swap3A_23], %swap3A_26 {strides = array<i32>} : memref<128xf32, #tpu.memory_space<vmem>>, vector<16xf32>,
    %broadcast_in_dim3A_27 = arith.constant 1.000000e+00 : f32
    %broadcast_in_dim3A_28 = vector.broadcast %broadcast_in_dim3A_27 : f32 to vector<16xf32>
    %swap3A_29 = arith.constant 64 : index
    %swap3A_30 = tpu.vector_load %arg5[%swap3A_29] {strides = array<i32>} : memref<128xf32, #tpu.memory_space<vmem>>, vector<16xf32>,
    %swap3A_31 = vector.shape_cast %swap3A_30 : vector<16xf32> to vector<16xf32>
    %swap3A_32 = vector.shape_cast %broadcast_in_dim3A_28 : vector<16xf32> to vector<16xf32>
    tpu.vector_store %arg5[%swap3A_29], %swap3A_32 {strides = array<i32>} : memref<128xf32, #tpu.memory_space<vmem>>, vector<16xf32>,
    %broadcast_in_dim3A_33 = arith.constant 1.000000e+00 : f32
    %broadcast_in_dim3A_34 = vector.broadcast %broadcast_in_dim3A_33 : f32 to vector<16xf32>
    %swap3A_35 = arith.constant 80 : index
    %swap3A_36 = tpu.vector_load %arg5[%swap3A_35] {strides = array<i32>} : memref<128xf32, #tpu.memory_space<vmem>>, vector<16xf32>,
    %swap3A_37 = vector.shape_cast %swap3A_36 : vector<16xf32> to vector<16xf32>
    %swap3A_38 = vector.shape_cast %broadcast_in_dim3A_34 : vector<16xf32> to vector<16xf32>
    tpu.vector_store %arg5[%swap3A_35], %swap3A_38 {strides = array<i32>} : memref<128xf32, #tpu.memory_space<vmem>>, vector<16xf32>,
    %broadcast_in_dim3A_39 = arith.constant 1.000000e+00 : f32
    %broadcast_in_dim3A_40 = vector.broadcast %broadcast_in_dim3A_39 : f32 to vector<16xf32>
    %swap3A_41 = arith.constant 96 : index
    %swap3A_42 = tpu.vector_load %arg5[%swap3A_41] {strides = array<i32>} : memref<128xf32, #tpu.memory_space<vmem>>, vector<16xf32>,
    %swap3A_43 = vector.shape_cast %swap3A_42 : vector<16xf32> to vector<16xf32>
    %swap3A_44 = vector.shape_cast %broadcast_in_dim3A_40 : vector<16xf32> to vector<16xf32>
    tpu.vector_store %arg5[%swap3A_41], %swap3A_44 {strides = array<i32>} : memref<128xf32, #tpu.memory_space<vmem>>, vector<16xf32>,
    %broadcast_in_dim3A_45 = arith.constant 1.000000e+00 : f32
    %broadcast_in_dim3A_46 = vector.broadcast %broadcast_in_dim3A_45 : f32 to vector<16xf32>
    %swap3A_47 = arith.constant 112 : index
    %swap3A_48 = tpu.vector_load %arg5[%swap3A_47] {strides = array<i32>} : memref<128xf32, #tpu.memory_space<vmem>>, vector<16xf32>,
    %swap3A_49 = vector.shape_cast %swap3A_48 : vector<16xf32> to vector<16xf32>
    %swap3A_50 = vector.shape_cast %broadcast_in_dim3A_46 : vector<16xf32> to vector<16xf32>
    tpu.vector_store %arg5[%swap3A_47], %swap3A_50 {strides = array<i32>} : memref<128xf32, #tpu.memory_space<vmem>>, vector<16xf32>,
    %mul3A = arith.constant 640 : i32
    %mul3A_51 = arith.muli %arg1, %mul3A : i32
    "tpu.region"() ({
      %run_scoped3A = tpu.sem_alloc : memref<!tpu.dma_semaphore, #tpu.memory_space<semaphore_mem>>
      %dma_start3A = tpu.memref_slice %arg7[%mul3A_51] : memref<10240xf32, #tpu.memory_space<vmem_shared>> -> memref<640xf32, #tpu.memory_space<vmem_shared>>
      %dma_start3A_76 = tpu.memref_slice %arg7[%mul3A_51] : memref<10240xf32, #tpu.memory_space<vmem_shared>> -> memref<640xf32, #tpu.memory_space<vmem_shared>>
      tpu.enqueue_dma source(%arg6 : memref<640xf32, #tpu.memory_space<vmem>>) target(%dma_start3A_76 : memref<640xf32, #tpu.memory_space<vmem_shared>>) target_semaphore(%run_scoped3A : memref<!tpu.dma_semaphore, #tpu.memory_space<semaphore_mem>>)
      %dma_wait3A = tpu.memref_slice %arg7[%mul3A_51] : memref<10240xf32, #tpu.memory_space<vmem_shared>> -> memref<640xf32, #tpu.memory_space<vmem_shared>>
      %dma_wait3A_77 = tpu.memref_slice %arg7[%mul3A_51] : memref<10240xf32, #tpu.memory_space<vmem_shared>> -> memref<640xf32, #tpu.memory_space<vmem_shared>>
      tpu.wait_dma2 semaphore(%run_scoped3A : memref<!tpu.dma_semaphore, #tpu.memory_space<semaphore_mem>>) src(%arg6 : memref<640xf32, #tpu.memory_space<vmem>>) dst(%dma_wait3A_77 : memref<640xf32, #tpu.memory_space<vmem_shared>>)
      tpu.yield
    }) : () -> ()
    %mul3A_52 = arith.constant 2560 : i32
    %mul3A_53 = arith.muli %arg0, %mul3A_52 : i32
    %mul3A_54 = arith.constant 160 : i32
    %mul3A_55 = arith.muli %arg1, %mul3A_54 : i32
    %add3A = arith.addi %mul3A_53, %mul3A_55 : i32
    "tpu.region"() ({
      %run_scoped3A = tpu.sem_alloc : memref<!tpu.dma_semaphore, #tpu.memory_space<semaphore_mem>>
      %dma_start3A = arith.constant 0 : i32
      %dma_start3A_76 = tpu.memref_slice %arg2[%add3A, %dma_start3A] : memref<5120x128xi32, #tpu.memory_space<hbm>> -> memref<160x128xi32, #tpu.memory_space<hbm>>
      %dma_start3A_77 = arith.constant 0 : i32
      %dma_start3A_78 = tpu.memref_slice %arg2[%add3A, %dma_start3A_77] : memref<5120x128xi32, #tpu.memory_space<hbm>> -> memref<160x128xi32, #tpu.memory_space<hbm>>
      tpu.enqueue_dma source(%dma_start3A_78 : memref<160x128xi32, #tpu.memory_space<hbm>>) target(%arg4 : memref<160x128xi32, #tpu.memory_space<vmem>>) target_semaphore(%run_scoped3A : memref<!tpu.dma_semaphore, #tpu.memory_space<semaphore_mem>>)
      %dma_wait3A = arith.constant 0 : i32
      %dma_wait3A_79 = tpu.memref_slice %arg2[%add3A, %dma_wait3A] : memref<5120x128xi32, #tpu.memory_space<hbm>> -> memref<160x128xi32, #tpu.memory_space<hbm>>
      %dma_wait3A_80 = arith.constant 0 : i32
      %dma_wait3A_81 = tpu.memref_slice %arg2[%add3A, %dma_wait3A_80] : memref<5120x128xi32, #tpu.memory_space<hbm>> -> memref<160x128xi32, #tpu.memory_space<hbm>>
      tpu.wait_dma2 semaphore(%run_scoped3A : memref<!tpu.dma_semaphore, #tpu.memory_space<semaphore_mem>>) src(%dma_wait3A_81 : memref<160x128xi32, #tpu.memory_space<hbm>>) dst(%arg4 : memref<160x128xi32, #tpu.memory_space<vmem>>)
      tpu.yield
    }) : () -> ()
    %barrier3A = arith.constant 0 : index
    tpu.barrier barrier_id(%barrier3A)
    %scan3A_56 = arith.constant 0 : i32
    %scan3A_57 = arith.constant 0 : i32
    %scan3A_58 = arith.constant 160 : i32
    %scan3A_59 = arith.addi %scan3A_57, %scan3A_58 : i32
    %scan3A_60 = arith.constant 1 : i32
    scf.for %scan3A_76 = %scan3A_57 to %scan3A_59 step %scan3A_60  : i32 {
      %dma_start3A = arith.constant 0 : i32
      %dma_start3A_77 = tpu.memref_slice %arg4[%scan3A_76, %dma_start3A] : memref<160x128xi32, #tpu.memory_space<vmem>> -> memref<1x128xi32, #tpu.memory_space<vmem>>
      %dma_start3A_78 = tpu.memref_squeeze %dma_start3A_77 : memref<1x128xi32, #tpu.memory_space<vmem>> -> memref<128xi32, #tpu.memory_space<vmem>>
      %dma_start3A_79 = arith.constant 0 : i32
      %dma_start3A_80 = tpu.memref_slice %arg7[%dma_start3A_79] : memref<10240xf32, #tpu.memory_space<vmem_shared>> -> memref<10240xf32, #tpu.memory_space<vmem_shared>>
      tpu.enqueue_indirect_dma source(%arg5 : memref<128xf32, #tpu.memory_space<vmem>>) target(%dma_start3A_80 : memref<10240xf32, #tpu.memory_space<vmem_shared>>) offsets(%dma_start3A_78 : memref<128xi32, #tpu.memory_space<vmem>>) semaphore(%arg8 : memref<!tpu.dma_semaphore, #tpu.memory_space<semaphore_mem>>) {add = true}
    }
    %scan3A_61 = arith.constant 160 : i32
    %scan3A_62 = arith.constant 0 : i32
    %scan3A_63 = arith.constant 0 : i32
    %scan3A_64 = arith.constant 160 : i32
    %scan3A_65 = arith.addi %scan3A_63, %scan3A_64 : i32
    %scan3A_66 = arith.constant 1 : i32
    scf.for %scan3A_76 = %scan3A_63 to %scan3A_65 step %scan3A_66  : i32 {
      %dma_wait3A = arith.constant 0 : i32
      %dma_wait3A_77 = arith.constant 0 : i32
      %dma_wait3A_78 = tpu.memref_slice %arg4[%dma_wait3A, %dma_wait3A_77] : memref<160x128xi32, #tpu.memory_space<vmem>> -> memref<1x128xi32, #tpu.memory_space<vmem>>
      %dma_wait3A_79 = tpu.memref_squeeze %dma_wait3A_78 : memref<1x128xi32, #tpu.memory_space<vmem>> -> memref<128xi32, #tpu.memory_space<vmem>>
      %dma_wait3A_80 = arith.constant 0 : i32
      %dma_wait3A_81 = tpu.memref_slice %arg7[%dma_wait3A_80] : memref<10240xf32, #tpu.memory_space<vmem_shared>> -> memref<10240xf32, #tpu.memory_space<vmem_shared>>
      tpu.wait_indirect_dma semaphore(%arg8 : memref<!tpu.dma_semaphore, #tpu.memory_space<semaphore_mem>>) src(%arg5 : memref<128xf32, #tpu.memory_space<vmem>>) dst(%dma_wait3A_81 : memref<10240xf32, #tpu.memory_space<vmem_shared>>)
    }
    %scan3A_67 = arith.constant 160 : i32
    %barrier3A_68 = arith.constant 0 : index
    tpu.barrier barrier_id(%barrier3A_68)
    %mul3A_69 = arith.constant 10240 : i32
    %mul3A_70 = arith.muli %arg0, %mul3A_69 : i32
    %mul3A_71 = arith.constant 640 : i32
    %mul3A_72 = arith.muli %arg1, %mul3A_71 : i32
    %add3A_73 = arith.addi %mul3A_70, %mul3A_72 : i32
    %mul3A_74 = arith.constant 640 : i32
    %mul3A_75 = arith.muli %arg1, %mul3A_74 : i32
    "tpu.region"() ({
      %run_scoped3A = tpu.sem_alloc : memref<!tpu.dma_semaphore, #tpu.memory_space<semaphore_mem>>
      %dma_start3A = tpu.memref_slice %arg7[%mul3A_75] : memref<10240xf32, #tpu.memory_space<vmem_shared>> -> memref<640xf32, #tpu.memory_space<vmem_shared>>
      %dma_start3A_76 = tpu.memref_slice %arg7[%mul3A_75] : memref<10240xf32, #tpu.memory_space<vmem_shared>> -> memref<640xf32, #tpu.memory_space<vmem_shared>>
      tpu.enqueue_dma source(%dma_start3A_76 : memref<640xf32, #tpu.memory_space<vmem_shared>>) target(%arg6 : memref<640xf32, #tpu.memory_space<vmem>>) target_semaphore(%run_scoped3A : memref<!tpu.dma_semaphore, #tpu.memory_space<semaphore_mem>>)
      %dma_wait3A = tpu.memref_slice %arg7[%mul3A_75] : memref<10240xf32, #tpu.memory_space<vmem_shared>> -> memref<640xf32, #tpu.memory_space<vmem_shared>>
      %dma_wait3A_77 = tpu.memref_slice %arg7[%mul3A_75] : memref<10240xf32, #tpu.memory_space<vmem_shared>> -> memref<640xf32, #tpu.memory_space<vmem_shared>>
      tpu.wait_dma2 semaphore(%run_scoped3A : memref<!tpu.dma_semaphore, #tpu.memory_space<semaphore_mem>>) src(%dma_wait3A_77 : memref<640xf32, #tpu.memory_space<vmem_shared>>) dst(%arg6 : memref<640xf32, #tpu.memory_space<vmem>>)
      tpu.yield
    }) : () -> ()
    "tpu.region"() ({
      %run_scoped3A = tpu.sem_alloc : memref<!tpu.dma_semaphore, #tpu.memory_space<semaphore_mem>>
      %dma_start3A = tpu.memref_slice %arg3[%add3A_73] : memref<20480xf32, #tpu.memory_space<hbm>> -> memref<640xf32, #tpu.memory_space<hbm>>
      %dma_start3A_76 = tpu.memref_slice %arg3[%add3A_73] : memref<20480xf32, #tpu.memory_space<hbm>> -> memref<640xf32, #tpu.memory_space<hbm>>
      tpu.enqueue_dma source(%arg6 : memref<640xf32, #tpu.memory_space<vmem>>) target(%dma_start3A_76 : memref<640xf32, #tpu.memory_space<hbm>>) target_semaphore(%run_scoped3A : memref<!tpu.dma_semaphore, #tpu.memory_space<semaphore_mem>>)
      %dma_wait3A = tpu.memref_slice %arg3[%add3A_73] : memref<20480xf32, #tpu.memory_space<hbm>> -> memref<640xf32, #tpu.memory_space<hbm>>
      %dma_wait3A_77 = tpu.memref_slice %arg3[%add3A_73] : memref<20480xf32, #tpu.memory_space<hbm>> -> memref<640xf32, #tpu.memory_space<hbm>>
      tpu.wait_dma2 semaphore(%run_scoped3A : memref<!tpu.dma_semaphore, #tpu.memory_space<semaphore_mem>>) src(%arg6 : memref<640xf32, #tpu.memory_space<vmem>>) dst(%dma_wait3A_77 : memref<640xf32, #tpu.memory_space<hbm>>)
      tpu.yield
    }) : () -> ()
    return
  }
}

#map = affine_map<(d0, d1) -> (0, 0)>
#map1 = affine_map<(d0, d1) -> (0, 0, 0)>
module attributes {stable_mosaic.version = 14 : i64} {
  func.func @_aggregate_kernel(%arg0: i32, %arg1: i32, %arg2: memref<10240x128xf32, #tpu.memory_space<hbm>>, %arg3: memref<2560x128xi32, #tpu.memory_space<hbm>>, %arg4: memref<2560x128xi32, #tpu.memory_space<hbm>>, %arg5: memref<2x10240x128xf32, #tpu.memory_space<hbm>>, %arg6: memref<40x128xi32, #tpu.memory_space<vmem>>, %arg7: memref<40x128xi32, #tpu.memory_space<vmem>>, %arg8: memref<128x128xf32, #tpu.memory_space<vmem>>, %arg9: memref<128x128xf32, #tpu.memory_space<vmem>>, %arg10: memref<10240x128xf32, #tpu.memory_space<vmem_shared>>, %arg11: memref<!tpu.dma_semaphore, #tpu.memory_space<semaphore_mem>>, %arg12: memref<!tpu.dma_semaphore, #tpu.memory_space<semaphore_mem>>, %arg13: memref<!tpu.dma_semaphore, #tpu.memory_space<semaphore_mem>>, %arg14: memref<!tpu.dma_semaphore, #tpu.memory_space<semaphore_mem>>) attributes {dimension_semantics = [#tpu.dimension_semantics<core_parallel>, #tpu.dimension_semantics<subcore_parallel>], iteration_bounds = array<i64: 2, 16>, scalar_prefetch = 0 : i64, scratch_operands = 9 : i64, tpu.core_type = #tpu.core_type<sc_vector_subcore>, window_params = [{transform_indices = #map}, {transform_indices = #map}, {transform_indices = #map}, {transform_indices = #map1}]} {
    %mul3A = arith.constant 16 : i32
    %mul3A_0 = arith.muli %arg0, %mul3A : i32
    %add3A = arith.addi %mul3A_0, %arg1 : i32
    %scan3A = arith.constant 0 : i32
    %scan3A_1 = arith.constant 0 : i32
    %scan3A_2 = arith.constant 128 : i32
    %scan3A_3 = arith.addi %scan3A_1, %scan3A_2 : i32
    %scan3A_4 = arith.constant 1 : i32
    scf.for %scan3A_169 = %scan3A_1 to %scan3A_3 step %scan3A_4  : i32 {
      %broadcast_in_dim3A = arith.constant 0.000000e+00 : f32
      %broadcast_in_dim3A_170 = vector.broadcast %broadcast_in_dim3A : f32 to vector<16xf32>
      %swap3A = arith.index_cast %scan3A_169 : i32 to index
      %swap3A_171 = arith.constant 0 : index
      %swap3A_172 = tpu.vector_load %arg8[%swap3A, %swap3A_171] {strides = array<i32>} : memref<128x128xf32, #tpu.memory_space<vmem>>, vector<1x16xf32>,
      %swap3A_173 = vector.shape_cast %swap3A_172 : vector<1x16xf32> to vector<16xf32>
      %swap3A_174 = vector.shape_cast %broadcast_in_dim3A_170 : vector<16xf32> to vector<1x16xf32>
      tpu.vector_store %arg8[%swap3A, %swap3A_171], %swap3A_174 {strides = array<i32>} : memref<128x128xf32, #tpu.memory_space<vmem>>, vector<1x16xf32>,
      %broadcast_in_dim3A_175 = arith.constant 0.000000e+00 : f32
      %broadcast_in_dim3A_176 = vector.broadcast %broadcast_in_dim3A_175 : f32 to vector<16xf32>
      %swap3A_177 = arith.index_cast %scan3A_169 : i32 to index
      %swap3A_178 = arith.constant 16 : index
      %swap3A_179 = tpu.vector_load %arg8[%swap3A_177, %swap3A_178] {strides = array<i32>} : memref<128x128xf32, #tpu.memory_space<vmem>>, vector<1x16xf32>,
      %swap3A_180 = vector.shape_cast %swap3A_179 : vector<1x16xf32> to vector<16xf32>
      %swap3A_181 = vector.shape_cast %broadcast_in_dim3A_176 : vector<16xf32> to vector<1x16xf32>
      tpu.vector_store %arg8[%swap3A_177, %swap3A_178], %swap3A_181 {strides = array<i32>} : memref<128x128xf32, #tpu.memory_space<vmem>>, vector<1x16xf32>,
      %broadcast_in_dim3A_182 = arith.constant 0.000000e+00 : f32
      %broadcast_in_dim3A_183 = vector.broadcast %broadcast_in_dim3A_182 : f32 to vector<16xf32>
      %swap3A_184 = arith.index_cast %scan3A_169 : i32 to index
      %swap3A_185 = arith.constant 32 : index
      %swap3A_186 = tpu.vector_load %arg8[%swap3A_184, %swap3A_185] {strides = array<i32>} : memref<128x128xf32, #tpu.memory_space<vmem>>, vector<1x16xf32>,
      %swap3A_187 = vector.shape_cast %swap3A_186 : vector<1x16xf32> to vector<16xf32>
      %swap3A_188 = vector.shape_cast %broadcast_in_dim3A_183 : vector<16xf32> to vector<1x16xf32>
      tpu.vector_store %arg8[%swap3A_184, %swap3A_185], %swap3A_188 {strides = array<i32>} : memref<128x128xf32, #tpu.memory_space<vmem>>, vector<1x16xf32>,
      %broadcast_in_dim3A_189 = arith.constant 0.000000e+00 : f32
      %broadcast_in_dim3A_190 = vector.broadcast %broadcast_in_dim3A_189 : f32 to vector<16xf32>
      %swap3A_191 = arith.index_cast %scan3A_169 : i32 to index
      %swap3A_192 = arith.constant 48 : index
      %swap3A_193 = tpu.vector_load %arg8[%swap3A_191, %swap3A_192] {strides = array<i32>} : memref<128x128xf32, #tpu.memory_space<vmem>>, vector<1x16xf32>,
      %swap3A_194 = vector.shape_cast %swap3A_193 : vector<1x16xf32> to vector<16xf32>
      %swap3A_195 = vector.shape_cast %broadcast_in_dim3A_190 : vector<16xf32> to vector<1x16xf32>
      tpu.vector_store %arg8[%swap3A_191, %swap3A_192], %swap3A_195 {strides = array<i32>} : memref<128x128xf32, #tpu.memory_space<vmem>>, vector<1x16xf32>,
      %broadcast_in_dim3A_196 = arith.constant 0.000000e+00 : f32
      %broadcast_in_dim3A_197 = vector.broadcast %broadcast_in_dim3A_196 : f32 to vector<16xf32>
      %swap3A_198 = arith.index_cast %scan3A_169 : i32 to index
      %swap3A_199 = arith.constant 64 : index
      %swap3A_200 = tpu.vector_load %arg8[%swap3A_198, %swap3A_199] {strides = array<i32>} : memref<128x128xf32, #tpu.memory_space<vmem>>, vector<1x16xf32>,
      %swap3A_201 = vector.shape_cast %swap3A_200 : vector<1x16xf32> to vector<16xf32>
      %swap3A_202 = vector.shape_cast %broadcast_in_dim3A_197 : vector<16xf32> to vector<1x16xf32>
      tpu.vector_store %arg8[%swap3A_198, %swap3A_199], %swap3A_202 {strides = array<i32>} : memref<128x128xf32, #tpu.memory_space<vmem>>, vector<1x16xf32>,
      %broadcast_in_dim3A_203 = arith.constant 0.000000e+00 : f32
      %broadcast_in_dim3A_204 = vector.broadcast %broadcast_in_dim3A_203 : f32 to vector<16xf32>
      %swap3A_205 = arith.index_cast %scan3A_169 : i32 to index
      %swap3A_206 = arith.constant 80 : index
      %swap3A_207 = tpu.vector_load %arg8[%swap3A_205, %swap3A_206] {strides = array<i32>} : memref<128x128xf32, #tpu.memory_space<vmem>>, vector<1x16xf32>,
      %swap3A_208 = vector.shape_cast %swap3A_207 : vector<1x16xf32> to vector<16xf32>
      %swap3A_209 = vector.shape_cast %broadcast_in_dim3A_204 : vector<16xf32> to vector<1x16xf32>
      tpu.vector_store %arg8[%swap3A_205, %swap3A_206], %swap3A_209 {strides = array<i32>} : memref<128x128xf32, #tpu.memory_space<vmem>>, vector<1x16xf32>,
      %broadcast_in_dim3A_210 = arith.constant 0.000000e+00 : f32
      %broadcast_in_dim3A_211 = vector.broadcast %broadcast_in_dim3A_210 : f32 to vector<16xf32>
      %swap3A_212 = arith.index_cast %scan3A_169 : i32 to index
      %swap3A_213 = arith.constant 96 : index
      %swap3A_214 = tpu.vector_load %arg8[%swap3A_212, %swap3A_213] {strides = array<i32>} : memref<128x128xf32, #tpu.memory_space<vmem>>, vector<1x16xf32>,
      %swap3A_215 = vector.shape_cast %swap3A_214 : vector<1x16xf32> to vector<16xf32>
      %swap3A_216 = vector.shape_cast %broadcast_in_dim3A_211 : vector<16xf32> to vector<1x16xf32>
      tpu.vector_store %arg8[%swap3A_212, %swap3A_213], %swap3A_216 {strides = array<i32>} : memref<128x128xf32, #tpu.memory_space<vmem>>, vector<1x16xf32>,
      %broadcast_in_dim3A_217 = arith.constant 0.000000e+00 : f32
      %broadcast_in_dim3A_218 = vector.broadcast %broadcast_in_dim3A_217 : f32 to vector<16xf32>
      %swap3A_219 = arith.index_cast %scan3A_169 : i32 to index
      %swap3A_220 = arith.constant 112 : index
      %swap3A_221 = tpu.vector_load %arg8[%swap3A_219, %swap3A_220] {strides = array<i32>} : memref<128x128xf32, #tpu.memory_space<vmem>>, vector<1x16xf32>,
      %swap3A_222 = vector.shape_cast %swap3A_221 : vector<1x16xf32> to vector<16xf32>
      %swap3A_223 = vector.shape_cast %broadcast_in_dim3A_218 : vector<16xf32> to vector<1x16xf32>
      tpu.vector_store %arg8[%swap3A_219, %swap3A_220], %swap3A_223 {strides = array<i32>} : memref<128x128xf32, #tpu.memory_space<vmem>>, vector<1x16xf32>,
    }
    %scan3A_5 = arith.constant 128 : i32
    %mul3A_6 = arith.constant 640 : i32
    %mul3A_7 = arith.muli %arg1, %mul3A_6 : i32
    %add3A_8 = arith.constant 0 : i32
    %add3A_9 = arith.addi %mul3A_7, %add3A_8 : i32
    "tpu.region"() ({
      %run_scoped3A = tpu.sem_alloc : memref<!tpu.dma_semaphore, #tpu.memory_space<semaphore_mem>>
      %dma_start3A_169 = arith.constant 0 : i32
      %dma_start3A_170 = tpu.memref_slice %arg10[%add3A_9, %dma_start3A_169] : memref<10240x128xf32, #tpu.memory_space<vmem_shared>> -> memref<128x128xf32, #tpu.memory_space<vmem_shared>>
      %dma_start3A_171 = arith.constant 0 : i32
      %dma_start3A_172 = tpu.memref_slice %arg10[%add3A_9, %dma_start3A_171] : memref<10240x128xf32, #tpu.memory_space<vmem_shared>> -> memref<128x128xf32, #tpu.memory_space<vmem_shared>>
      tpu.enqueue_dma source(%arg8 : memref<128x128xf32, #tpu.memory_space<vmem>>) target(%dma_start3A_172 : memref<128x128xf32, #tpu.memory_space<vmem_shared>>) target_semaphore(%run_scoped3A : memref<!tpu.dma_semaphore, #tpu.memory_space<semaphore_mem>>)
      %dma_wait3A_173 = arith.constant 0 : i32
      %dma_wait3A_174 = tpu.memref_slice %arg10[%add3A_9, %dma_wait3A_173] : memref<10240x128xf32, #tpu.memory_space<vmem_shared>> -> memref<128x128xf32, #tpu.memory_space<vmem_shared>>
      %dma_wait3A_175 = arith.constant 0 : i32
      %dma_wait3A_176 = tpu.memref_slice %arg10[%add3A_9, %dma_wait3A_175] : memref<10240x128xf32, #tpu.memory_space<vmem_shared>> -> memref<128x128xf32, #tpu.memory_space<vmem_shared>>
      tpu.wait_dma2 semaphore(%run_scoped3A : memref<!tpu.dma_semaphore, #tpu.memory_space<semaphore_mem>>) src(%arg8 : memref<128x128xf32, #tpu.memory_space<vmem>>) dst(%dma_wait3A_176 : memref<128x128xf32, #tpu.memory_space<vmem_shared>>)
      tpu.yield
    }) : () -> ()
    %mul3A_10 = arith.constant 640 : i32
    %mul3A_11 = arith.muli %arg1, %mul3A_10 : i32
    %add3A_12 = arith.constant 128 : i32
    %add3A_13 = arith.addi %mul3A_11, %add3A_12 : i32
    "tpu.region"() ({
      %run_scoped3A = tpu.sem_alloc : memref<!tpu.dma_semaphore, #tpu.memory_space<semaphore_mem>>
      %dma_start3A_169 = arith.constant 0 : i32
      %dma_start3A_170 = tpu.memref_slice %arg10[%add3A_13, %dma_start3A_169] : memref<10240x128xf32, #tpu.memory_space<vmem_shared>> -> memref<128x128xf32, #tpu.memory_space<vmem_shared>>
      %dma_start3A_171 = arith.constant 0 : i32
      %dma_start3A_172 = tpu.memref_slice %arg10[%add3A_13, %dma_start3A_171] : memref<10240x128xf32, #tpu.memory_space<vmem_shared>> -> memref<128x128xf32, #tpu.memory_space<vmem_shared>>
      tpu.enqueue_dma source(%arg8 : memref<128x128xf32, #tpu.memory_space<vmem>>) target(%dma_start3A_172 : memref<128x128xf32, #tpu.memory_space<vmem_shared>>) target_semaphore(%run_scoped3A : memref<!tpu.dma_semaphore, #tpu.memory_space<semaphore_mem>>)
      %dma_wait3A_173 = arith.constant 0 : i32
      %dma_wait3A_174 = tpu.memref_slice %arg10[%add3A_13, %dma_wait3A_173] : memref<10240x128xf32, #tpu.memory_space<vmem_shared>> -> memref<128x128xf32, #tpu.memory_space<vmem_shared>>
      %dma_wait3A_175 = arith.constant 0 : i32
      %dma_wait3A_176 = tpu.memref_slice %arg10[%add3A_13, %dma_wait3A_175] : memref<10240x128xf32, #tpu.memory_space<vmem_shared>> -> memref<128x128xf32, #tpu.memory_space<vmem_shared>>
      tpu.wait_dma2 semaphore(%run_scoped3A : memref<!tpu.dma_semaphore, #tpu.memory_space<semaphore_mem>>) src(%arg8 : memref<128x128xf32, #tpu.memory_space<vmem>>) dst(%dma_wait3A_176 : memref<128x128xf32, #tpu.memory_space<vmem_shared>>)
      tpu.yield
    }) : () -> ()
    %mul3A_14 = arith.constant 640 : i32
    %mul3A_15 = arith.muli %arg1, %mul3A_14 : i32
    %add3A_16 = arith.constant 256 : i32
    %add3A_17 = arith.addi %mul3A_15, %add3A_16 : i32
    "tpu.region"() ({
      %run_scoped3A = tpu.sem_alloc : memref<!tpu.dma_semaphore, #tpu.memory_space<semaphore_mem>>
      %dma_start3A_169 = arith.constant 0 : i32
      %dma_start3A_170 = tpu.memref_slice %arg10[%add3A_17, %dma_start3A_169] : memref<10240x128xf32, #tpu.memory_space<vmem_shared>> -> memref<128x128xf32, #tpu.memory_space<vmem_shared>>
      %dma_start3A_171 = arith.constant 0 : i32
      %dma_start3A_172 = tpu.memref_slice %arg10[%add3A_17, %dma_start3A_171] : memref<10240x128xf32, #tpu.memory_space<vmem_shared>> -> memref<128x128xf32, #tpu.memory_space<vmem_shared>>
      tpu.enqueue_dma source(%arg8 : memref<128x128xf32, #tpu.memory_space<vmem>>) target(%dma_start3A_172 : memref<128x128xf32, #tpu.memory_space<vmem_shared>>) target_semaphore(%run_scoped3A : memref<!tpu.dma_semaphore, #tpu.memory_space<semaphore_mem>>)
      %dma_wait3A_173 = arith.constant 0 : i32
      %dma_wait3A_174 = tpu.memref_slice %arg10[%add3A_17, %dma_wait3A_173] : memref<10240x128xf32, #tpu.memory_space<vmem_shared>> -> memref<128x128xf32, #tpu.memory_space<vmem_shared>>
      %dma_wait3A_175 = arith.constant 0 : i32
      %dma_wait3A_176 = tpu.memref_slice %arg10[%add3A_17, %dma_wait3A_175] : memref<10240x128xf32, #tpu.memory_space<vmem_shared>> -> memref<128x128xf32, #tpu.memory_space<vmem_shared>>
      tpu.wait_dma2 semaphore(%run_scoped3A : memref<!tpu.dma_semaphore, #tpu.memory_space<semaphore_mem>>) src(%arg8 : memref<128x128xf32, #tpu.memory_space<vmem>>) dst(%dma_wait3A_176 : memref<128x128xf32, #tpu.memory_space<vmem_shared>>)
      tpu.yield
    }) : () -> ()
    %mul3A_18 = arith.constant 640 : i32
    %mul3A_19 = arith.muli %arg1, %mul3A_18 : i32
    %add3A_20 = arith.constant 384 : i32
    %add3A_21 = arith.addi %mul3A_19, %add3A_20 : i32
    "tpu.region"() ({
      %run_scoped3A = tpu.sem_alloc : memref<!tpu.dma_semaphore, #tpu.memory_space<semaphore_mem>>
      %dma_start3A_169 = arith.constant 0 : i32
      %dma_start3A_170 = tpu.memref_slice %arg10[%add3A_21, %dma_start3A_169] : memref<10240x128xf32, #tpu.memory_space<vmem_shared>> -> memref<128x128xf32, #tpu.memory_space<vmem_shared>>
      %dma_start3A_171 = arith.constant 0 : i32
      %dma_start3A_172 = tpu.memref_slice %arg10[%add3A_21, %dma_start3A_171] : memref<10240x128xf32, #tpu.memory_space<vmem_shared>> -> memref<128x128xf32, #tpu.memory_space<vmem_shared>>
      tpu.enqueue_dma source(%arg8 : memref<128x128xf32, #tpu.memory_space<vmem>>) target(%dma_start3A_172 : memref<128x128xf32, #tpu.memory_space<vmem_shared>>) target_semaphore(%run_scoped3A : memref<!tpu.dma_semaphore, #tpu.memory_space<semaphore_mem>>)
      %dma_wait3A_173 = arith.constant 0 : i32
      %dma_wait3A_174 = tpu.memref_slice %arg10[%add3A_21, %dma_wait3A_173] : memref<10240x128xf32, #tpu.memory_space<vmem_shared>> -> memref<128x128xf32, #tpu.memory_space<vmem_shared>>
      %dma_wait3A_175 = arith.constant 0 : i32
      %dma_wait3A_176 = tpu.memref_slice %arg10[%add3A_21, %dma_wait3A_175] : memref<10240x128xf32, #tpu.memory_space<vmem_shared>> -> memref<128x128xf32, #tpu.memory_space<vmem_shared>>
      tpu.wait_dma2 semaphore(%run_scoped3A : memref<!tpu.dma_semaphore, #tpu.memory_space<semaphore_mem>>) src(%arg8 : memref<128x128xf32, #tpu.memory_space<vmem>>) dst(%dma_wait3A_176 : memref<128x128xf32, #tpu.memory_space<vmem_shared>>)
      tpu.yield
    }) : () -> ()
    %mul3A_22 = arith.constant 640 : i32
    %mul3A_23 = arith.muli %arg1, %mul3A_22 : i32
    %add3A_24 = arith.constant 512 : i32
    %add3A_25 = arith.addi %mul3A_23, %add3A_24 : i32
    "tpu.region"() ({
      %run_scoped3A = tpu.sem_alloc : memref<!tpu.dma_semaphore, #tpu.memory_space<semaphore_mem>>
      %dma_start3A_169 = arith.constant 0 : i32
      %dma_start3A_170 = tpu.memref_slice %arg10[%add3A_25, %dma_start3A_169] : memref<10240x128xf32, #tpu.memory_space<vmem_shared>> -> memref<128x128xf32, #tpu.memory_space<vmem_shared>>
      %dma_start3A_171 = arith.constant 0 : i32
      %dma_start3A_172 = tpu.memref_slice %arg10[%add3A_25, %dma_start3A_171] : memref<10240x128xf32, #tpu.memory_space<vmem_shared>> -> memref<128x128xf32, #tpu.memory_space<vmem_shared>>
      tpu.enqueue_dma source(%arg8 : memref<128x128xf32, #tpu.memory_space<vmem>>) target(%dma_start3A_172 : memref<128x128xf32, #tpu.memory_space<vmem_shared>>) target_semaphore(%run_scoped3A : memref<!tpu.dma_semaphore, #tpu.memory_space<semaphore_mem>>)
      %dma_wait3A_173 = arith.constant 0 : i32
      %dma_wait3A_174 = tpu.memref_slice %arg10[%add3A_25, %dma_wait3A_173] : memref<10240x128xf32, #tpu.memory_space<vmem_shared>> -> memref<128x128xf32, #tpu.memory_space<vmem_shared>>
      %dma_wait3A_175 = arith.constant 0 : i32
      %dma_wait3A_176 = tpu.memref_slice %arg10[%add3A_25, %dma_wait3A_175] : memref<10240x128xf32, #tpu.memory_space<vmem_shared>> -> memref<128x128xf32, #tpu.memory_space<vmem_shared>>
      tpu.wait_dma2 semaphore(%run_scoped3A : memref<!tpu.dma_semaphore, #tpu.memory_space<semaphore_mem>>) src(%arg8 : memref<128x128xf32, #tpu.memory_space<vmem>>) dst(%dma_wait3A_176 : memref<128x128xf32, #tpu.memory_space<vmem_shared>>)
      tpu.yield
    }) : () -> ()
    %barrier3A = arith.constant 0 : index
    tpu.barrier barrier_id(%barrier3A)
    %mul3A_26 = arith.constant 80 : i32
    %mul3A_27 = arith.muli %add3A, %mul3A_26 : i32
    %add3A_28 = arith.constant 0 : i32
    %add3A_29 = arith.addi %mul3A_27, %add3A_28 : i32
    "tpu.region"() ({
      %run_scoped3A = tpu.sem_alloc : memref<!tpu.dma_semaphore, #tpu.memory_space<semaphore_mem>>
      %dma_start3A_169 = arith.constant 0 : i32
      %dma_start3A_170 = tpu.memref_slice %arg3[%add3A_29, %dma_start3A_169] : memref<2560x128xi32, #tpu.memory_space<hbm>> -> memref<40x128xi32, #tpu.memory_space<hbm>>
      %dma_start3A_171 = arith.constant 0 : i32
      %dma_start3A_172 = tpu.memref_slice %arg3[%add3A_29, %dma_start3A_171] : memref<2560x128xi32, #tpu.memory_space<hbm>> -> memref<40x128xi32, #tpu.memory_space<hbm>>
      tpu.enqueue_dma source(%dma_start3A_172 : memref<40x128xi32, #tpu.memory_space<hbm>>) target(%arg6 : memref<40x128xi32, #tpu.memory_space<vmem>>) target_semaphore(%run_scoped3A : memref<!tpu.dma_semaphore, #tpu.memory_space<semaphore_mem>>)
      %dma_wait3A_173 = arith.constant 0 : i32
      %dma_wait3A_174 = tpu.memref_slice %arg3[%add3A_29, %dma_wait3A_173] : memref<2560x128xi32, #tpu.memory_space<hbm>> -> memref<40x128xi32, #tpu.memory_space<hbm>>
      %dma_wait3A_175 = arith.constant 0 : i32
      %dma_wait3A_176 = tpu.memref_slice %arg3[%add3A_29, %dma_wait3A_175] : memref<2560x128xi32, #tpu.memory_space<hbm>> -> memref<40x128xi32, #tpu.memory_space<hbm>>
      tpu.wait_dma2 semaphore(%run_scoped3A : memref<!tpu.dma_semaphore, #tpu.memory_space<semaphore_mem>>) src(%dma_wait3A_176 : memref<40x128xi32, #tpu.memory_space<hbm>>) dst(%arg6 : memref<40x128xi32, #tpu.memory_space<vmem>>)
      tpu.yield
    }) : () -> ()
    %mul3A_30 = arith.constant 80 : i32
    %mul3A_31 = arith.muli %add3A, %mul3A_30 : i32
    %add3A_32 = arith.constant 0 : i32
    %add3A_33 = arith.addi %mul3A_31, %add3A_32 : i32
    "tpu.region"() ({
      %run_scoped3A = tpu.sem_alloc : memref<!tpu.dma_semaphore, #tpu.memory_space<semaphore_mem>>
      %dma_start3A_169 = arith.constant 0 : i32
      %dma_start3A_170 = tpu.memref_slice %arg4[%add3A_33, %dma_start3A_169] : memref<2560x128xi32, #tpu.memory_space<hbm>> -> memref<40x128xi32, #tpu.memory_space<hbm>>
      %dma_start3A_171 = arith.constant 0 : i32
      %dma_start3A_172 = tpu.memref_slice %arg4[%add3A_33, %dma_start3A_171] : memref<2560x128xi32, #tpu.memory_space<hbm>> -> memref<40x128xi32, #tpu.memory_space<hbm>>
      tpu.enqueue_dma source(%dma_start3A_172 : memref<40x128xi32, #tpu.memory_space<hbm>>) target(%arg7 : memref<40x128xi32, #tpu.memory_space<vmem>>) target_semaphore(%run_scoped3A : memref<!tpu.dma_semaphore, #tpu.memory_space<semaphore_mem>>)
      %dma_wait3A_173 = arith.constant 0 : i32
      %dma_wait3A_174 = tpu.memref_slice %arg4[%add3A_33, %dma_wait3A_173] : memref<2560x128xi32, #tpu.memory_space<hbm>> -> memref<40x128xi32, #tpu.memory_space<hbm>>
      %dma_wait3A_175 = arith.constant 0 : i32
      %dma_wait3A_176 = tpu.memref_slice %arg4[%add3A_33, %dma_wait3A_175] : memref<2560x128xi32, #tpu.memory_space<hbm>> -> memref<40x128xi32, #tpu.memory_space<hbm>>
      tpu.wait_dma2 semaphore(%run_scoped3A : memref<!tpu.dma_semaphore, #tpu.memory_space<semaphore_mem>>) src(%dma_wait3A_176 : memref<40x128xi32, #tpu.memory_space<hbm>>) dst(%arg7 : memref<40x128xi32, #tpu.memory_space<vmem>>)
      tpu.yield
    }) : () -> ()
    %dma_start3A = arith.constant 0 : i32
    %dma_start3A_34 = arith.constant 0 : i32
    %dma_start3A_35 = tpu.memref_slice %arg6[%dma_start3A, %dma_start3A_34] : memref<40x128xi32, #tpu.memory_space<vmem>> -> memref<1x128xi32, #tpu.memory_space<vmem>>
    %dma_start3A_36 = tpu.memref_squeeze %dma_start3A_35 : memref<1x128xi32, #tpu.memory_space<vmem>> -> memref<128xi32, #tpu.memory_space<vmem>>
    %dma_start3A_37 = arith.constant 0 : i32
    %dma_start3A_38 = arith.constant 0 : i32
    %dma_start3A_39 = tpu.memref_slice %arg2[%dma_start3A_37, %dma_start3A_38] : memref<10240x128xf32, #tpu.memory_space<hbm>> -> memref<10240x128xf32, #tpu.memory_space<hbm>>
    tpu.enqueue_indirect_dma source(%dma_start3A_39 : memref<10240x128xf32, #tpu.memory_space<hbm>>) target(%arg8 : memref<128x128xf32, #tpu.memory_space<vmem>>) offsets(%dma_start3A_36 : memref<128xi32, #tpu.memory_space<vmem>>) semaphore(%arg11 : memref<!tpu.dma_semaphore, #tpu.memory_space<semaphore_mem>>)
    %dma_start3A_40 = arith.constant 1 : i32
    %dma_start3A_41 = arith.constant 0 : i32
    %dma_start3A_42 = tpu.memref_slice %arg6[%dma_start3A_40, %dma_start3A_41] : memref<40x128xi32, #tpu.memory_space<vmem>> -> memref<1x128xi32, #tpu.memory_space<vmem>>
    %dma_start3A_43 = tpu.memref_squeeze %dma_start3A_42 : memref<1x128xi32, #tpu.memory_space<vmem>> -> memref<128xi32, #tpu.memory_space<vmem>>
    %dma_start3A_44 = arith.constant 0 : i32
    %dma_start3A_45 = arith.constant 0 : i32
    %dma_start3A_46 = tpu.memref_slice %arg2[%dma_start3A_44, %dma_start3A_45] : memref<10240x128xf32, #tpu.memory_space<hbm>> -> memref<10240x128xf32, #tpu.memory_space<hbm>>
    tpu.enqueue_indirect_dma source(%dma_start3A_46 : memref<10240x128xf32, #tpu.memory_space<hbm>>) target(%arg9 : memref<128x128xf32, #tpu.memory_space<vmem>>) offsets(%dma_start3A_43 : memref<128xi32, #tpu.memory_space<vmem>>) semaphore(%arg12 : memref<!tpu.dma_semaphore, #tpu.memory_space<semaphore_mem>>)
    %scan3A_47 = arith.constant 0 : i32
    %scan3A_48 = arith.constant 0 : i32
    %scan3A_49 = arith.constant 19 : i32
    %scan3A_50 = arith.addi %scan3A_48, %scan3A_49 : i32
    %scan3A_51 = arith.constant 1 : i32
    scf.for %scan3A_169 = %scan3A_48 to %scan3A_50 step %scan3A_51  : i32 {
      %dma_wait3A_170 = arith.constant 0 : i32
      %dma_wait3A_171 = arith.constant 0 : i32
      %dma_wait3A_172 = tpu.memref_slice %arg6[%dma_wait3A_170, %dma_wait3A_171] : memref<40x128xi32, #tpu.memory_space<vmem>> -> memref<1x128xi32, #tpu.memory_space<vmem>>
      %dma_wait3A_173 = tpu.memref_squeeze %dma_wait3A_172 : memref<1x128xi32, #tpu.memory_space<vmem>> -> memref<128xi32, #tpu.memory_space<vmem>>
      %dma_wait3A_174 = arith.constant 0 : i32
      %dma_wait3A_175 = arith.constant 0 : i32
      %dma_wait3A_176 = tpu.memref_slice %arg2[%dma_wait3A_174, %dma_wait3A_175] : memref<10240x128xf32, #tpu.memory_space<hbm>> -> memref<10240x128xf32, #tpu.memory_space<hbm>>
      tpu.wait_indirect_dma semaphore(%arg11 : memref<!tpu.dma_semaphore, #tpu.memory_space<semaphore_mem>>) src(%dma_wait3A_176 : memref<10240x128xf32, #tpu.memory_space<hbm>>) dst(%arg8 : memref<128x128xf32, #tpu.memory_space<vmem>>)
      %mul3A_177 = arith.constant 2 : i32
      %mul3A_178 = arith.muli %mul3A_177, %scan3A_169 : i32
      %dma_start3A_179 = arith.constant 0 : i32
      %dma_start3A_180 = tpu.memref_slice %arg7[%mul3A_178, %dma_start3A_179] : memref<40x128xi32, #tpu.memory_space<vmem>> -> memref<1x128xi32, #tpu.memory_space<vmem>>
      %dma_start3A_181 = tpu.memref_squeeze %dma_start3A_180 : memref<1x128xi32, #tpu.memory_space<vmem>> -> memref<128xi32, #tpu.memory_space<vmem>>
      %dma_start3A_182 = arith.constant 0 : i32
      %dma_start3A_183 = arith.constant 0 : i32
      %dma_start3A_184 = tpu.memref_slice %arg10[%dma_start3A_182, %dma_start3A_183] : memref<10240x128xf32, #tpu.memory_space<vmem_shared>> -> memref<10240x128xf32, #tpu.memory_space<vmem_shared>>
      tpu.enqueue_indirect_dma source(%arg8 : memref<128x128xf32, #tpu.memory_space<vmem>>) target(%dma_start3A_184 : memref<10240x128xf32, #tpu.memory_space<vmem_shared>>) offsets(%dma_start3A_181 : memref<128xi32, #tpu.memory_space<vmem>>) semaphore(%arg13 : memref<!tpu.dma_semaphore, #tpu.memory_space<semaphore_mem>>) {add = true}
      %dma_wait3A_185 = arith.constant 0 : i32
      %dma_wait3A_186 = arith.constant 0 : i32
      %dma_wait3A_187 = tpu.memref_slice %arg7[%dma_wait3A_185, %dma_wait3A_186] : memref<40x128xi32, #tpu.memory_space<vmem>> -> memref<1x128xi32, #tpu.memory_space<vmem>>
      %dma_wait3A_188 = tpu.memref_squeeze %dma_wait3A_187 : memref<1x128xi32, #tpu.memory_space<vmem>> -> memref<128xi32, #tpu.memory_space<vmem>>
      %dma_wait3A_189 = arith.constant 0 : i32
      %dma_wait3A_190 = arith.constant 0 : i32
      %dma_wait3A_191 = tpu.memref_slice %arg10[%dma_wait3A_189, %dma_wait3A_190] : memref<10240x128xf32, #tpu.memory_space<vmem_shared>> -> memref<10240x128xf32, #tpu.memory_space<vmem_shared>>
      tpu.wait_indirect_dma semaphore(%arg13 : memref<!tpu.dma_semaphore, #tpu.memory_space<semaphore_mem>>) src(%arg8 : memref<128x128xf32, #tpu.memory_space<vmem>>) dst(%dma_wait3A_191 : memref<10240x128xf32, #tpu.memory_space<vmem_shared>>)
      %mul3A_192 = arith.constant 2 : i32
      %mul3A_193 = arith.muli %mul3A_192, %scan3A_169 : i32
      %add3A_194 = arith.constant 2 : i32
      %add3A_195 = arith.addi %mul3A_193, %add3A_194 : i32
      %dma_start3A_196 = arith.constant 0 : i32
      %dma_start3A_197 = tpu.memref_slice %arg6[%add3A_195, %dma_start3A_196] : memref<40x128xi32, #tpu.memory_space<vmem>> -> memref<1x128xi32, #tpu.memory_space<vmem>>
      %dma_start3A_198 = tpu.memref_squeeze %dma_start3A_197 : memref<1x128xi32, #tpu.memory_space<vmem>> -> memref<128xi32, #tpu.memory_space<vmem>>
      %dma_start3A_199 = arith.constant 0 : i32
      %dma_start3A_200 = arith.constant 0 : i32
      %dma_start3A_201 = tpu.memref_slice %arg2[%dma_start3A_199, %dma_start3A_200] : memref<10240x128xf32, #tpu.memory_space<hbm>> -> memref<10240x128xf32, #tpu.memory_space<hbm>>
      tpu.enqueue_indirect_dma source(%dma_start3A_201 : memref<10240x128xf32, #tpu.memory_space<hbm>>) target(%arg8 : memref<128x128xf32, #tpu.memory_space<vmem>>) offsets(%dma_start3A_198 : memref<128xi32, #tpu.memory_space<vmem>>) semaphore(%arg11 : memref<!tpu.dma_semaphore, #tpu.memory_space<semaphore_mem>>)
      %dma_wait3A_202 = arith.constant 0 : i32
      %dma_wait3A_203 = arith.constant 0 : i32
      %dma_wait3A_204 = tpu.memref_slice %arg6[%dma_wait3A_202, %dma_wait3A_203] : memref<40x128xi32, #tpu.memory_space<vmem>> -> memref<1x128xi32, #tpu.memory_space<vmem>>
      %dma_wait3A_205 = tpu.memref_squeeze %dma_wait3A_204 : memref<1x128xi32, #tpu.memory_space<vmem>> -> memref<128xi32, #tpu.memory_space<vmem>>
      %dma_wait3A_206 = arith.constant 0 : i32
      %dma_wait3A_207 = arith.constant 0 : i32
      %dma_wait3A_208 = tpu.memref_slice %arg2[%dma_wait3A_206, %dma_wait3A_207] : memref<10240x128xf32, #tpu.memory_space<hbm>> -> memref<10240x128xf32, #tpu.memory_space<hbm>>
      tpu.wait_indirect_dma semaphore(%arg12 : memref<!tpu.dma_semaphore, #tpu.memory_space<semaphore_mem>>) src(%dma_wait3A_208 : memref<10240x128xf32, #tpu.memory_space<hbm>>) dst(%arg9 : memref<128x128xf32, #tpu.memory_space<vmem>>)
      %mul3A_209 = arith.constant 2 : i32
      %mul3A_210 = arith.muli %mul3A_209, %scan3A_169 : i32
      %add3A_211 = arith.constant 1 : i32
      %add3A_212 = arith.addi %mul3A_210, %add3A_211 : i32
      %dma_start3A_213 = arith.constant 0 : i32
      %dma_start3A_214 = tpu.memref_slice %arg7[%add3A_212, %dma_start3A_213] : memref<40x128xi32, #tpu.memory_space<vmem>> -> memref<1x128xi32, #tpu.memory_space<vmem>>
      %dma_start3A_215 = tpu.memref_squeeze %dma_start3A_214 : memref<1x128xi32, #tpu.memory_space<vmem>> -> memref<128xi32, #tpu.memory_space<vmem>>
      %dma_start3A_216 = arith.constant 0 : i32
      %dma_start3A_217 = arith.constant 0 : i32
      %dma_start3A_218 = tpu.memref_slice %arg10[%dma_start3A_216, %dma_start3A_217] : memref<10240x128xf32, #tpu.memory_space<vmem_shared>> -> memref<10240x128xf32, #tpu.memory_space<vmem_shared>>
      tpu.enqueue_indirect_dma source(%arg9 : memref<128x128xf32, #tpu.memory_space<vmem>>) target(%dma_start3A_218 : memref<10240x128xf32, #tpu.memory_space<vmem_shared>>) offsets(%dma_start3A_215 : memref<128xi32, #tpu.memory_space<vmem>>) semaphore(%arg14 : memref<!tpu.dma_semaphore, #tpu.memory_space<semaphore_mem>>) {add = true}
      %dma_wait3A_219 = arith.constant 0 : i32
      %dma_wait3A_220 = arith.constant 0 : i32
      %dma_wait3A_221 = tpu.memref_slice %arg7[%dma_wait3A_219, %dma_wait3A_220] : memref<40x128xi32, #tpu.memory_space<vmem>> -> memref<1x128xi32, #tpu.memory_space<vmem>>
      %dma_wait3A_222 = tpu.memref_squeeze %dma_wait3A_221 : memref<1x128xi32, #tpu.memory_space<vmem>> -> memref<128xi32, #tpu.memory_space<vmem>>
      %dma_wait3A_223 = arith.constant 0 : i32
      %dma_wait3A_224 = arith.constant 0 : i32
      %dma_wait3A_225 = tpu.memref_slice %arg10[%dma_wait3A_223, %dma_wait3A_224] : memref<10240x128xf32, #tpu.memory_space<vmem_shared>> -> memref<10240x128xf32, #tpu.memory_space<vmem_shared>>
      tpu.wait_indirect_dma semaphore(%arg14 : memref<!tpu.dma_semaphore, #tpu.memory_space<semaphore_mem>>) src(%arg9 : memref<128x128xf32, #tpu.memory_space<vmem>>) dst(%dma_wait3A_225 : memref<10240x128xf32, #tpu.memory_space<vmem_shared>>)
      %mul3A_226 = arith.constant 2 : i32
      %mul3A_227 = arith.muli %mul3A_226, %scan3A_169 : i32
      %add3A_228 = arith.constant 3 : i32
      %add3A_229 = arith.addi %mul3A_227, %add3A_228 : i32
      %dma_start3A_230 = arith.constant 0 : i32
      %dma_start3A_231 = tpu.memref_slice %arg6[%add3A_229, %dma_start3A_230] : memref<40x128xi32, #tpu.memory_space<vmem>> -> memref<1x128xi32, #tpu.memory_space<vmem>>
      %dma_start3A_232 = tpu.memref_squeeze %dma_start3A_231 : memref<1x128xi32, #tpu.memory_space<vmem>> -> memref<128xi32, #tpu.memory_space<vmem>>
      %dma_start3A_233 = arith.constant 0 : i32
      %dma_start3A_234 = arith.constant 0 : i32
      %dma_start3A_235 = tpu.memref_slice %arg2[%dma_start3A_233, %dma_start3A_234] : memref<10240x128xf32, #tpu.memory_space<hbm>> -> memref<10240x128xf32, #tpu.memory_space<hbm>>
      tpu.enqueue_indirect_dma source(%dma_start3A_235 : memref<10240x128xf32, #tpu.memory_space<hbm>>) target(%arg9 : memref<128x128xf32, #tpu.memory_space<vmem>>) offsets(%dma_start3A_232 : memref<128xi32, #tpu.memory_space<vmem>>) semaphore(%arg12 : memref<!tpu.dma_semaphore, #tpu.memory_space<semaphore_mem>>)
    }
    %scan3A_52 = arith.constant 19 : i32
    %dma_wait3A = arith.constant 0 : i32
    %dma_wait3A_53 = arith.constant 0 : i32
    %dma_wait3A_54 = tpu.memref_slice %arg6[%dma_wait3A, %dma_wait3A_53] : memref<40x128xi32, #tpu.memory_space<vmem>> -> memref<1x128xi32, #tpu.memory_space<vmem>>
    %dma_wait3A_55 = tpu.memref_squeeze %dma_wait3A_54 : memref<1x128xi32, #tpu.memory_space<vmem>> -> memref<128xi32, #tpu.memory_space<vmem>>
    %dma_wait3A_56 = arith.constant 0 : i32
    %dma_wait3A_57 = arith.constant 0 : i32
    %dma_wait3A_58 = tpu.memref_slice %arg2[%dma_wait3A_56, %dma_wait3A_57] : memref<10240x128xf32, #tpu.memory_space<hbm>> -> memref<10240x128xf32, #tpu.memory_space<hbm>>
    tpu.wait_indirect_dma semaphore(%arg11 : memref<!tpu.dma_semaphore, #tpu.memory_space<semaphore_mem>>) src(%dma_wait3A_58 : memref<10240x128xf32, #tpu.memory_space<hbm>>) dst(%arg8 : memref<128x128xf32, #tpu.memory_space<vmem>>)
    %dma_start3A_59 = arith.constant 38 : i32
    %dma_start3A_60 = arith.constant 0 : i32
    %dma_start3A_61 = tpu.memref_slice %arg7[%dma_start3A_59, %dma_start3A_60] : memref<40x128xi32, #tpu.memory_space<vmem>> -> memref<1x128xi32, #tpu.memory_space<vmem>>
    %dma_start3A_62 = tpu.memref_squeeze %dma_start3A_61 : memref<1x128xi32, #tpu.memory_space<vmem>> -> memref<128xi32, #tpu.memory_space<vmem>>
    %dma_start3A_63 = arith.constant 0 : i32
    %dma_start3A_64 = arith.constant 0 : i32
    %dma_start3A_65 = tpu.memref_slice %arg10[%dma_start3A_63, %dma_start3A_64] : memref<10240x128xf32, #tpu.memory_space<vmem_shared>> -> memref<10240x128xf32, #tpu.memory_space<vmem_shared>>
    tpu.enqueue_indirect_dma source(%arg8 : memref<128x128xf32, #tpu.memory_space<vmem>>) target(%dma_start3A_65 : memref<10240x128xf32, #tpu.memory_space<vmem_shared>>) offsets(%dma_start3A_62 : memref<128xi32, #tpu.memory_space<vmem>>) semaphore(%arg13 : memref<!tpu.dma_semaphore, #tpu.memory_space<semaphore_mem>>) {add = true}
    %dma_wait3A_66 = arith.constant 0 : i32
    %dma_wait3A_67 = arith.constant 0 : i32
    %dma_wait3A_68 = tpu.memref_slice %arg6[%dma_wait3A_66, %dma_wait3A_67] : memref<40x128xi32, #tpu.memory_space<vmem>> -> memref<1x128xi32, #tpu.memory_space<vmem>>
    %dma_wait3A_69 = tpu.memref_squeeze %dma_wait3A_68 : memref<1x128xi32, #tpu.memory_space<vmem>> -> memref<128xi32, #tpu.memory_space<vmem>>
    %dma_wait3A_70 = arith.constant 0 : i32
    %dma_wait3A_71 = arith.constant 0 : i32
    %dma_wait3A_72 = tpu.memref_slice %arg2[%dma_wait3A_70, %dma_wait3A_71] : memref<10240x128xf32, #tpu.memory_space<hbm>> -> memref<10240x128xf32, #tpu.memory_space<hbm>>
    tpu.wait_indirect_dma semaphore(%arg12 : memref<!tpu.dma_semaphore, #tpu.memory_space<semaphore_mem>>) src(%dma_wait3A_72 : memref<10240x128xf32, #tpu.memory_space<hbm>>) dst(%arg9 : memref<128x128xf32, #tpu.memory_space<vmem>>)
    %dma_start3A_73 = arith.constant 39 : i32
    %dma_start3A_74 = arith.constant 0 : i32
    %dma_start3A_75 = tpu.memref_slice %arg7[%dma_start3A_73, %dma_start3A_74] : memref<40x128xi32, #tpu.memory_space<vmem>> -> memref<1x128xi32, #tpu.memory_space<vmem>>
    %dma_start3A_76 = tpu.memref_squeeze %dma_start3A_75 : memref<1x128xi32, #tpu.memory_space<vmem>> -> memref<128xi32, #tpu.memory_space<vmem>>
    %dma_start3A_77 = arith.constant 0 : i32
    %dma_start3A_78 = arith.constant 0 : i32
    %dma_start3A_79 = tpu.memref_slice %arg10[%dma_start3A_77, %dma_start3A_78] : memref<10240x128xf32, #tpu.memory_space<vmem_shared>> -> memref<10240x128xf32, #tpu.memory_space<vmem_shared>>
    tpu.enqueue_indirect_dma source(%arg9 : memref<128x128xf32, #tpu.memory_space<vmem>>) target(%dma_start3A_79 : memref<10240x128xf32, #tpu.memory_space<vmem_shared>>) offsets(%dma_start3A_76 : memref<128xi32, #tpu.memory_space<vmem>>) semaphore(%arg14 : memref<!tpu.dma_semaphore, #tpu.memory_space<semaphore_mem>>) {add = true}
    %dma_wait3A_80 = arith.constant 0 : i32
    %dma_wait3A_81 = arith.constant 0 : i32
    %dma_wait3A_82 = tpu.memref_slice %arg7[%dma_wait3A_80, %dma_wait3A_81] : memref<40x128xi32, #tpu.memory_space<vmem>> -> memref<1x128xi32, #tpu.memory_space<vmem>>
    %dma_wait3A_83 = tpu.memref_squeeze %dma_wait3A_82 : memref<1x128xi32, #tpu.memory_space<vmem>> -> memref<128xi32, #tpu.memory_space<vmem>>
    %dma_wait3A_84 = arith.constant 0 : i32
    %dma_wait3A_85 = arith.constant 0 : i32
    %dma_wait3A_86 = tpu.memref_slice %arg10[%dma_wait3A_84, %dma_wait3A_85] : memref<10240x128xf32, #tpu.memory_space<vmem_shared>> -> memref<10240x128xf32, #tpu.memory_space<vmem_shared>>
    tpu.wait_indirect_dma semaphore(%arg13 : memref<!tpu.dma_semaphore, #tpu.memory_space<semaphore_mem>>) src(%arg8 : memref<128x128xf32, #tpu.memory_space<vmem>>) dst(%dma_wait3A_86 : memref<10240x128xf32, #tpu.memory_space<vmem_shared>>)
    %dma_wait3A_87 = arith.constant 0 : i32
    %dma_wait3A_88 = arith.constant 0 : i32
    %dma_wait3A_89 = tpu.memref_slice %arg7[%dma_wait3A_87, %dma_wait3A_88] : memref<40x128xi32, #tpu.memory_space<vmem>> -> memref<1x128xi32, #tpu.memory_space<vmem>>
    %dma_wait3A_90 = tpu.memref_squeeze %dma_wait3A_89 : memref<1x128xi32, #tpu.memory_space<vmem>> -> memref<128xi32, #tpu.memory_space<vmem>>
    %dma_wait3A_91 = arith.constant 0 : i32
    %dma_wait3A_92 = arith.constant 0 : i32
    %dma_wait3A_93 = tpu.memref_slice %arg10[%dma_wait3A_91, %dma_wait3A_92] : memref<10240x128xf32, #tpu.memory_space<vmem_shared>> -> memref<10240x128xf32, #tpu.memory_space<vmem_shared>>
    tpu.wait_indirect_dma semaphore(%arg14 : memref<!tpu.dma_semaphore, #tpu.memory_space<semaphore_mem>>) src(%arg9 : memref<128x128xf32, #tpu.memory_space<vmem>>) dst(%dma_wait3A_93 : memref<10240x128xf32, #tpu.memory_space<vmem_shared>>)
    %mul3A_94 = arith.constant 80 : i32
    %mul3A_95 = arith.muli %add3A, %mul3A_94 : i32
    %add3A_96 = arith.constant 40 : i32
    %add3A_97 = arith.addi %mul3A_95, %add3A_96 : i32
    "tpu.region"() ({
      %run_scoped3A = tpu.sem_alloc : memref<!tpu.dma_semaphore, #tpu.memory_space<semaphore_mem>>
      %dma_start3A_169 = arith.constant 0 : i32
      %dma_start3A_170 = tpu.memref_slice %arg3[%add3A_97, %dma_start3A_169] : memref<2560x128xi32, #tpu.memory_space<hbm>> -> memref<40x128xi32, #tpu.memory_space<hbm>>
      %dma_start3A_171 = arith.constant 0 : i32
      %dma_start3A_172 = tpu.memref_slice %arg3[%add3A_97, %dma_start3A_171] : memref<2560x128xi32, #tpu.memory_space<hbm>> -> memref<40x128xi32, #tpu.memory_space<hbm>>
      tpu.enqueue_dma source(%dma_start3A_172 : memref<40x128xi32, #tpu.memory_space<hbm>>) target(%arg6 : memref<40x128xi32, #tpu.memory_space<vmem>>) target_semaphore(%run_scoped3A : memref<!tpu.dma_semaphore, #tpu.memory_space<semaphore_mem>>)
      %dma_wait3A_173 = arith.constant 0 : i32
      %dma_wait3A_174 = tpu.memref_slice %arg3[%add3A_97, %dma_wait3A_173] : memref<2560x128xi32, #tpu.memory_space<hbm>> -> memref<40x128xi32, #tpu.memory_space<hbm>>
      %dma_wait3A_175 = arith.constant 0 : i32
      %dma_wait3A_176 = tpu.memref_slice %arg3[%add3A_97, %dma_wait3A_175] : memref<2560x128xi32, #tpu.memory_space<hbm>> -> memref<40x128xi32, #tpu.memory_space<hbm>>
      tpu.wait_dma2 semaphore(%run_scoped3A : memref<!tpu.dma_semaphore, #tpu.memory_space<semaphore_mem>>) src(%dma_wait3A_176 : memref<40x128xi32, #tpu.memory_space<hbm>>) dst(%arg6 : memref<40x128xi32, #tpu.memory_space<vmem>>)
      tpu.yield
    }) : () -> ()
    %mul3A_98 = arith.constant 80 : i32
    %mul3A_99 = arith.muli %add3A, %mul3A_98 : i32
    %add3A_100 = arith.constant 40 : i32
    %add3A_101 = arith.addi %mul3A_99, %add3A_100 : i32
    "tpu.region"() ({
      %run_scoped3A = tpu.sem_alloc : memref<!tpu.dma_semaphore, #tpu.memory_space<semaphore_mem>>
      %dma_start3A_169 = arith.constant 0 : i32
      %dma_start3A_170 = tpu.memref_slice %arg4[%add3A_101, %dma_start3A_169] : memref<2560x128xi32, #tpu.memory_space<hbm>> -> memref<40x128xi32, #tpu.memory_space<hbm>>
      %dma_start3A_171 = arith.constant 0 : i32
      %dma_start3A_172 = tpu.memref_slice %arg4[%add3A_101, %dma_start3A_171] : memref<2560x128xi32, #tpu.memory_space<hbm>> -> memref<40x128xi32, #tpu.memory_space<hbm>>
      tpu.enqueue_dma source(%dma_start3A_172 : memref<40x128xi32, #tpu.memory_space<hbm>>) target(%arg7 : memref<40x128xi32, #tpu.memory_space<vmem>>) target_semaphore(%run_scoped3A : memref<!tpu.dma_semaphore, #tpu.memory_space<semaphore_mem>>)
      %dma_wait3A_173 = arith.constant 0 : i32
      %dma_wait3A_174 = tpu.memref_slice %arg4[%add3A_101, %dma_wait3A_173] : memref<2560x128xi32, #tpu.memory_space<hbm>> -> memref<40x128xi32, #tpu.memory_space<hbm>>
      %dma_wait3A_175 = arith.constant 0 : i32
      %dma_wait3A_176 = tpu.memref_slice %arg4[%add3A_101, %dma_wait3A_175] : memref<2560x128xi32, #tpu.memory_space<hbm>> -> memref<40x128xi32, #tpu.memory_space<hbm>>
      tpu.wait_dma2 semaphore(%run_scoped3A : memref<!tpu.dma_semaphore, #tpu.memory_space<semaphore_mem>>) src(%dma_wait3A_176 : memref<40x128xi32, #tpu.memory_space<hbm>>) dst(%arg7 : memref<40x128xi32, #tpu.memory_space<vmem>>)
      tpu.yield
    }) : () -> ()
    %dma_start3A_102 = arith.constant 0 : i32
    %dma_start3A_103 = arith.constant 0 : i32
    %dma_start3A_104 = tpu.memref_slice %arg6[%dma_start3A_102, %dma_start3A_103] : memref<40x128xi32, #tpu.memory_space<vmem>> -> memref<1x128xi32, #tpu.memory_space<vmem>>
    %dma_start3A_105 = tpu.memref_squeeze %dma_start3A_104 : memref<1x128xi32, #tpu.memory_space<vmem>> -> memref<128xi32, #tpu.memory_space<vmem>>
    %dma_start3A_106 = arith.constant 0 : i32
    %dma_start3A_107 = arith.constant 0 : i32
    %dma_start3A_108 = tpu.memref_slice %arg2[%dma_start3A_106, %dma_start3A_107] : memref<10240x128xf32, #tpu.memory_space<hbm>> -> memref<10240x128xf32, #tpu.memory_space<hbm>>
    tpu.enqueue_indirect_dma source(%dma_start3A_108 : memref<10240x128xf32, #tpu.memory_space<hbm>>) target(%arg8 : memref<128x128xf32, #tpu.memory_space<vmem>>) offsets(%dma_start3A_105 : memref<128xi32, #tpu.memory_space<vmem>>) semaphore(%arg11 : memref<!tpu.dma_semaphore, #tpu.memory_space<semaphore_mem>>)
    %dma_start3A_109 = arith.constant 1 : i32
    %dma_start3A_110 = arith.constant 0 : i32
    %dma_start3A_111 = tpu.memref_slice %arg6[%dma_start3A_109, %dma_start3A_110] : memref<40x128xi32, #tpu.memory_space<vmem>> -> memref<1x128xi32, #tpu.memory_space<vmem>>
    %dma_start3A_112 = tpu.memref_squeeze %dma_start3A_111 : memref<1x128xi32, #tpu.memory_space<vmem>> -> memref<128xi32, #tpu.memory_space<vmem>>
    %dma_start3A_113 = arith.constant 0 : i32
    %dma_start3A_114 = arith.constant 0 : i32
    %dma_start3A_115 = tpu.memref_slice %arg2[%dma_start3A_113, %dma_start3A_114] : memref<10240x128xf32, #tpu.memory_space<hbm>> -> memref<10240x128xf32, #tpu.memory_space<hbm>>
    tpu.enqueue_indirect_dma source(%dma_start3A_115 : memref<10240x128xf32, #tpu.memory_space<hbm>>) target(%arg9 : memref<128x128xf32, #tpu.memory_space<vmem>>) offsets(%dma_start3A_112 : memref<128xi32, #tpu.memory_space<vmem>>) semaphore(%arg12 : memref<!tpu.dma_semaphore, #tpu.memory_space<semaphore_mem>>)
    %scan3A_116 = arith.constant 0 : i32
    %scan3A_117 = arith.constant 0 : i32
    %scan3A_118 = arith.constant 19 : i32
    %scan3A_119 = arith.addi %scan3A_117, %scan3A_118 : i32
    %scan3A_120 = arith.constant 1 : i32
    scf.for %scan3A_169 = %scan3A_117 to %scan3A_119 step %scan3A_120  : i32 {
      %dma_wait3A_170 = arith.constant 0 : i32
      %dma_wait3A_171 = arith.constant 0 : i32
      %dma_wait3A_172 = tpu.memref_slice %arg6[%dma_wait3A_170, %dma_wait3A_171] : memref<40x128xi32, #tpu.memory_space<vmem>> -> memref<1x128xi32, #tpu.memory_space<vmem>>
      %dma_wait3A_173 = tpu.memref_squeeze %dma_wait3A_172 : memref<1x128xi32, #tpu.memory_space<vmem>> -> memref<128xi32, #tpu.memory_space<vmem>>
      %dma_wait3A_174 = arith.constant 0 : i32
      %dma_wait3A_175 = arith.constant 0 : i32
      %dma_wait3A_176 = tpu.memref_slice %arg2[%dma_wait3A_174, %dma_wait3A_175] : memref<10240x128xf32, #tpu.memory_space<hbm>> -> memref<10240x128xf32, #tpu.memory_space<hbm>>
      tpu.wait_indirect_dma semaphore(%arg11 : memref<!tpu.dma_semaphore, #tpu.memory_space<semaphore_mem>>) src(%dma_wait3A_176 : memref<10240x128xf32, #tpu.memory_space<hbm>>) dst(%arg8 : memref<128x128xf32, #tpu.memory_space<vmem>>)
      %mul3A_177 = arith.constant 2 : i32
      %mul3A_178 = arith.muli %mul3A_177, %scan3A_169 : i32
      %dma_start3A_179 = arith.constant 0 : i32
      %dma_start3A_180 = tpu.memref_slice %arg7[%mul3A_178, %dma_start3A_179] : memref<40x128xi32, #tpu.memory_space<vmem>> -> memref<1x128xi32, #tpu.memory_space<vmem>>
      %dma_start3A_181 = tpu.memref_squeeze %dma_start3A_180 : memref<1x128xi32, #tpu.memory_space<vmem>> -> memref<128xi32, #tpu.memory_space<vmem>>
      %dma_start3A_182 = arith.constant 0 : i32
      %dma_start3A_183 = arith.constant 0 : i32
      %dma_start3A_184 = tpu.memref_slice %arg10[%dma_start3A_182, %dma_start3A_183] : memref<10240x128xf32, #tpu.memory_space<vmem_shared>> -> memref<10240x128xf32, #tpu.memory_space<vmem_shared>>
      tpu.enqueue_indirect_dma source(%arg8 : memref<128x128xf32, #tpu.memory_space<vmem>>) target(%dma_start3A_184 : memref<10240x128xf32, #tpu.memory_space<vmem_shared>>) offsets(%dma_start3A_181 : memref<128xi32, #tpu.memory_space<vmem>>) semaphore(%arg13 : memref<!tpu.dma_semaphore, #tpu.memory_space<semaphore_mem>>) {add = true}
      %dma_wait3A_185 = arith.constant 0 : i32
      %dma_wait3A_186 = arith.constant 0 : i32
      %dma_wait3A_187 = tpu.memref_slice %arg7[%dma_wait3A_185, %dma_wait3A_186] : memref<40x128xi32, #tpu.memory_space<vmem>> -> memref<1x128xi32, #tpu.memory_space<vmem>>
      %dma_wait3A_188 = tpu.memref_squeeze %dma_wait3A_187 : memref<1x128xi32, #tpu.memory_space<vmem>> -> memref<128xi32, #tpu.memory_space<vmem>>
      %dma_wait3A_189 = arith.constant 0 : i32
      %dma_wait3A_190 = arith.constant 0 : i32
      %dma_wait3A_191 = tpu.memref_slice %arg10[%dma_wait3A_189, %dma_wait3A_190] : memref<10240x128xf32, #tpu.memory_space<vmem_shared>> -> memref<10240x128xf32, #tpu.memory_space<vmem_shared>>
      tpu.wait_indirect_dma semaphore(%arg13 : memref<!tpu.dma_semaphore, #tpu.memory_space<semaphore_mem>>) src(%arg8 : memref<128x128xf32, #tpu.memory_space<vmem>>) dst(%dma_wait3A_191 : memref<10240x128xf32, #tpu.memory_space<vmem_shared>>)
      %mul3A_192 = arith.constant 2 : i32
      %mul3A_193 = arith.muli %mul3A_192, %scan3A_169 : i32
      %add3A_194 = arith.constant 2 : i32
      %add3A_195 = arith.addi %mul3A_193, %add3A_194 : i32
      %dma_start3A_196 = arith.constant 0 : i32
      %dma_start3A_197 = tpu.memref_slice %arg6[%add3A_195, %dma_start3A_196] : memref<40x128xi32, #tpu.memory_space<vmem>> -> memref<1x128xi32, #tpu.memory_space<vmem>>
      %dma_start3A_198 = tpu.memref_squeeze %dma_start3A_197 : memref<1x128xi32, #tpu.memory_space<vmem>> -> memref<128xi32, #tpu.memory_space<vmem>>
      %dma_start3A_199 = arith.constant 0 : i32
      %dma_start3A_200 = arith.constant 0 : i32
      %dma_start3A_201 = tpu.memref_slice %arg2[%dma_start3A_199, %dma_start3A_200] : memref<10240x128xf32, #tpu.memory_space<hbm>> -> memref<10240x128xf32, #tpu.memory_space<hbm>>
      tpu.enqueue_indirect_dma source(%dma_start3A_201 : memref<10240x128xf32, #tpu.memory_space<hbm>>) target(%arg8 : memref<128x128xf32, #tpu.memory_space<vmem>>) offsets(%dma_start3A_198 : memref<128xi32, #tpu.memory_space<vmem>>) semaphore(%arg11 : memref<!tpu.dma_semaphore, #tpu.memory_space<semaphore_mem>>)
      %dma_wait3A_202 = arith.constant 0 : i32
      %dma_wait3A_203 = arith.constant 0 : i32
      %dma_wait3A_204 = tpu.memref_slice %arg6[%dma_wait3A_202, %dma_wait3A_203] : memref<40x128xi32, #tpu.memory_space<vmem>> -> memref<1x128xi32, #tpu.memory_space<vmem>>
      %dma_wait3A_205 = tpu.memref_squeeze %dma_wait3A_204 : memref<1x128xi32, #tpu.memory_space<vmem>> -> memref<128xi32, #tpu.memory_space<vmem>>
      %dma_wait3A_206 = arith.constant 0 : i32
      %dma_wait3A_207 = arith.constant 0 : i32
      %dma_wait3A_208 = tpu.memref_slice %arg2[%dma_wait3A_206, %dma_wait3A_207] : memref<10240x128xf32, #tpu.memory_space<hbm>> -> memref<10240x128xf32, #tpu.memory_space<hbm>>
      tpu.wait_indirect_dma semaphore(%arg12 : memref<!tpu.dma_semaphore, #tpu.memory_space<semaphore_mem>>) src(%dma_wait3A_208 : memref<10240x128xf32, #tpu.memory_space<hbm>>) dst(%arg9 : memref<128x128xf32, #tpu.memory_space<vmem>>)
      %mul3A_209 = arith.constant 2 : i32
      %mul3A_210 = arith.muli %mul3A_209, %scan3A_169 : i32
      %add3A_211 = arith.constant 1 : i32
      %add3A_212 = arith.addi %mul3A_210, %add3A_211 : i32
      %dma_start3A_213 = arith.constant 0 : i32
      %dma_start3A_214 = tpu.memref_slice %arg7[%add3A_212, %dma_start3A_213] : memref<40x128xi32, #tpu.memory_space<vmem>> -> memref<1x128xi32, #tpu.memory_space<vmem>>
      %dma_start3A_215 = tpu.memref_squeeze %dma_start3A_214 : memref<1x128xi32, #tpu.memory_space<vmem>> -> memref<128xi32, #tpu.memory_space<vmem>>
      %dma_start3A_216 = arith.constant 0 : i32
      %dma_start3A_217 = arith.constant 0 : i32
      %dma_start3A_218 = tpu.memref_slice %arg10[%dma_start3A_216, %dma_start3A_217] : memref<10240x128xf32, #tpu.memory_space<vmem_shared>> -> memref<10240x128xf32, #tpu.memory_space<vmem_shared>>
      tpu.enqueue_indirect_dma source(%arg9 : memref<128x128xf32, #tpu.memory_space<vmem>>) target(%dma_start3A_218 : memref<10240x128xf32, #tpu.memory_space<vmem_shared>>) offsets(%dma_start3A_215 : memref<128xi32, #tpu.memory_space<vmem>>) semaphore(%arg14 : memref<!tpu.dma_semaphore, #tpu.memory_space<semaphore_mem>>) {add = true}
      %dma_wait3A_219 = arith.constant 0 : i32
      %dma_wait3A_220 = arith.constant 0 : i32
      %dma_wait3A_221 = tpu.memref_slice %arg7[%dma_wait3A_219, %dma_wait3A_220] : memref<40x128xi32, #tpu.memory_space<vmem>> -> memref<1x128xi32, #tpu.memory_space<vmem>>
      %dma_wait3A_222 = tpu.memref_squeeze %dma_wait3A_221 : memref<1x128xi32, #tpu.memory_space<vmem>> -> memref<128xi32, #tpu.memory_space<vmem>>
      %dma_wait3A_223 = arith.constant 0 : i32
      %dma_wait3A_224 = arith.constant 0 : i32
      %dma_wait3A_225 = tpu.memref_slice %arg10[%dma_wait3A_223, %dma_wait3A_224] : memref<10240x128xf32, #tpu.memory_space<vmem_shared>> -> memref<10240x128xf32, #tpu.memory_space<vmem_shared>>
      tpu.wait_indirect_dma semaphore(%arg14 : memref<!tpu.dma_semaphore, #tpu.memory_space<semaphore_mem>>) src(%arg9 : memref<128x128xf32, #tpu.memory_space<vmem>>) dst(%dma_wait3A_225 : memref<10240x128xf32, #tpu.memory_space<vmem_shared>>)
      %mul3A_226 = arith.constant 2 : i32
      %mul3A_227 = arith.muli %mul3A_226, %scan3A_169 : i32
      %add3A_228 = arith.constant 3 : i32
      %add3A_229 = arith.addi %mul3A_227, %add3A_228 : i32
      %dma_start3A_230 = arith.constant 0 : i32
      %dma_start3A_231 = tpu.memref_slice %arg6[%add3A_229, %dma_start3A_230] : memref<40x128xi32, #tpu.memory_space<vmem>> -> memref<1x128xi32, #tpu.memory_space<vmem>>
      %dma_start3A_232 = tpu.memref_squeeze %dma_start3A_231 : memref<1x128xi32, #tpu.memory_space<vmem>> -> memref<128xi32, #tpu.memory_space<vmem>>
      %dma_start3A_233 = arith.constant 0 : i32
      %dma_start3A_234 = arith.constant 0 : i32
      %dma_start3A_235 = tpu.memref_slice %arg2[%dma_start3A_233, %dma_start3A_234] : memref<10240x128xf32, #tpu.memory_space<hbm>> -> memref<10240x128xf32, #tpu.memory_space<hbm>>
      tpu.enqueue_indirect_dma source(%dma_start3A_235 : memref<10240x128xf32, #tpu.memory_space<hbm>>) target(%arg9 : memref<128x128xf32, #tpu.memory_space<vmem>>) offsets(%dma_start3A_232 : memref<128xi32, #tpu.memory_space<vmem>>) semaphore(%arg12 : memref<!tpu.dma_semaphore, #tpu.memory_space<semaphore_mem>>)
    }
    %scan3A_121 = arith.constant 19 : i32
    %dma_wait3A_122 = arith.constant 0 : i32
    %dma_wait3A_123 = arith.constant 0 : i32
    %dma_wait3A_124 = tpu.memref_slice %arg6[%dma_wait3A_122, %dma_wait3A_123] : memref<40x128xi32, #tpu.memory_space<vmem>> -> memref<1x128xi32, #tpu.memory_space<vmem>>
    %dma_wait3A_125 = tpu.memref_squeeze %dma_wait3A_124 : memref<1x128xi32, #tpu.memory_space<vmem>> -> memref<128xi32, #tpu.memory_space<vmem>>
    %dma_wait3A_126 = arith.constant 0 : i32
    %dma_wait3A_127 = arith.constant 0 : i32
    %dma_wait3A_128 = tpu.memref_slice %arg2[%dma_wait3A_126, %dma_wait3A_127] : memref<10240x128xf32, #tpu.memory_space<hbm>> -> memref<10240x128xf32, #tpu.memory_space<hbm>>
    tpu.wait_indirect_dma semaphore(%arg11 : memref<!tpu.dma_semaphore, #tpu.memory_space<semaphore_mem>>) src(%dma_wait3A_128 : memref<10240x128xf32, #tpu.memory_space<hbm>>) dst(%arg8 : memref<128x128xf32, #tpu.memory_space<vmem>>)
    %dma_start3A_129 = arith.constant 38 : i32
    %dma_start3A_130 = arith.constant 0 : i32
    %dma_start3A_131 = tpu.memref_slice %arg7[%dma_start3A_129, %dma_start3A_130] : memref<40x128xi32, #tpu.memory_space<vmem>> -> memref<1x128xi32, #tpu.memory_space<vmem>>
    %dma_start3A_132 = tpu.memref_squeeze %dma_start3A_131 : memref<1x128xi32, #tpu.memory_space<vmem>> -> memref<128xi32, #tpu.memory_space<vmem>>
    %dma_start3A_133 = arith.constant 0 : i32
    %dma_start3A_134 = arith.constant 0 : i32
    %dma_start3A_135 = tpu.memref_slice %arg10[%dma_start3A_133, %dma_start3A_134] : memref<10240x128xf32, #tpu.memory_space<vmem_shared>> -> memref<10240x128xf32, #tpu.memory_space<vmem_shared>>
    tpu.enqueue_indirect_dma source(%arg8 : memref<128x128xf32, #tpu.memory_space<vmem>>) target(%dma_start3A_135 : memref<10240x128xf32, #tpu.memory_space<vmem_shared>>) offsets(%dma_start3A_132 : memref<128xi32, #tpu.memory_space<vmem>>) semaphore(%arg13 : memref<!tpu.dma_semaphore, #tpu.memory_space<semaphore_mem>>) {add = true}
    %dma_wait3A_136 = arith.constant 0 : i32
    %dma_wait3A_137 = arith.constant 0 : i32
    %dma_wait3A_138 = tpu.memref_slice %arg6[%dma_wait3A_136, %dma_wait3A_137] : memref<40x128xi32, #tpu.memory_space<vmem>> -> memref<1x128xi32, #tpu.memory_space<vmem>>
    %dma_wait3A_139 = tpu.memref_squeeze %dma_wait3A_138 : memref<1x128xi32, #tpu.memory_space<vmem>> -> memref<128xi32, #tpu.memory_space<vmem>>
    %dma_wait3A_140 = arith.constant 0 : i32
    %dma_wait3A_141 = arith.constant 0 : i32
    %dma_wait3A_142 = tpu.memref_slice %arg2[%dma_wait3A_140, %dma_wait3A_141] : memref<10240x128xf32, #tpu.memory_space<hbm>> -> memref<10240x128xf32, #tpu.memory_space<hbm>>
    tpu.wait_indirect_dma semaphore(%arg12 : memref<!tpu.dma_semaphore, #tpu.memory_space<semaphore_mem>>) src(%dma_wait3A_142 : memref<10240x128xf32, #tpu.memory_space<hbm>>) dst(%arg9 : memref<128x128xf32, #tpu.memory_space<vmem>>)
    %dma_start3A_143 = arith.constant 39 : i32
    %dma_start3A_144 = arith.constant 0 : i32
    %dma_start3A_145 = tpu.memref_slice %arg7[%dma_start3A_143, %dma_start3A_144] : memref<40x128xi32, #tpu.memory_space<vmem>> -> memref<1x128xi32, #tpu.memory_space<vmem>>
    %dma_start3A_146 = tpu.memref_squeeze %dma_start3A_145 : memref<1x128xi32, #tpu.memory_space<vmem>> -> memref<128xi32, #tpu.memory_space<vmem>>
    %dma_start3A_147 = arith.constant 0 : i32
    %dma_start3A_148 = arith.constant 0 : i32
    %dma_start3A_149 = tpu.memref_slice %arg10[%dma_start3A_147, %dma_start3A_148] : memref<10240x128xf32, #tpu.memory_space<vmem_shared>> -> memref<10240x128xf32, #tpu.memory_space<vmem_shared>>
    tpu.enqueue_indirect_dma source(%arg9 : memref<128x128xf32, #tpu.memory_space<vmem>>) target(%dma_start3A_149 : memref<10240x128xf32, #tpu.memory_space<vmem_shared>>) offsets(%dma_start3A_146 : memref<128xi32, #tpu.memory_space<vmem>>) semaphore(%arg14 : memref<!tpu.dma_semaphore, #tpu.memory_space<semaphore_mem>>) {add = true}
    %dma_wait3A_150 = arith.constant 0 : i32
    %dma_wait3A_151 = arith.constant 0 : i32
    %dma_wait3A_152 = tpu.memref_slice %arg7[%dma_wait3A_150, %dma_wait3A_151] : memref<40x128xi32, #tpu.memory_space<vmem>> -> memref<1x128xi32, #tpu.memory_space<vmem>>
    %dma_wait3A_153 = tpu.memref_squeeze %dma_wait3A_152 : memref<1x128xi32, #tpu.memory_space<vmem>> -> memref<128xi32, #tpu.memory_space<vmem>>
    %dma_wait3A_154 = arith.constant 0 : i32
    %dma_wait3A_155 = arith.constant 0 : i32
    %dma_wait3A_156 = tpu.memref_slice %arg10[%dma_wait3A_154, %dma_wait3A_155] : memref<10240x128xf32, #tpu.memory_space<vmem_shared>> -> memref<10240x128xf32, #tpu.memory_space<vmem_shared>>
    tpu.wait_indirect_dma semaphore(%arg13 : memref<!tpu.dma_semaphore, #tpu.memory_space<semaphore_mem>>) src(%arg8 : memref<128x128xf32, #tpu.memory_space<vmem>>) dst(%dma_wait3A_156 : memref<10240x128xf32, #tpu.memory_space<vmem_shared>>)
    %dma_wait3A_157 = arith.constant 0 : i32
    %dma_wait3A_158 = arith.constant 0 : i32
    %dma_wait3A_159 = tpu.memref_slice %arg7[%dma_wait3A_157, %dma_wait3A_158] : memref<40x128xi32, #tpu.memory_space<vmem>> -> memref<1x128xi32, #tpu.memory_space<vmem>>
    %dma_wait3A_160 = tpu.memref_squeeze %dma_wait3A_159 : memref<1x128xi32, #tpu.memory_space<vmem>> -> memref<128xi32, #tpu.memory_space<vmem>>
    %dma_wait3A_161 = arith.constant 0 : i32
    %dma_wait3A_162 = arith.constant 0 : i32
    %dma_wait3A_163 = tpu.memref_slice %arg10[%dma_wait3A_161, %dma_wait3A_162] : memref<10240x128xf32, #tpu.memory_space<vmem_shared>> -> memref<10240x128xf32, #tpu.memory_space<vmem_shared>>
    tpu.wait_indirect_dma semaphore(%arg14 : memref<!tpu.dma_semaphore, #tpu.memory_space<semaphore_mem>>) src(%arg9 : memref<128x128xf32, #tpu.memory_space<vmem>>) dst(%dma_wait3A_163 : memref<10240x128xf32, #tpu.memory_space<vmem_shared>>)
    %barrier3A_164 = arith.constant 0 : index
    tpu.barrier barrier_id(%barrier3A_164)
    %mul3A_165 = arith.constant 640 : i32
    %mul3A_166 = arith.muli %arg1, %mul3A_165 : i32
    %mul3A_167 = arith.constant 640 : i32
    %mul3A_168 = arith.muli %arg1, %mul3A_167 : i32
    "tpu.region"() ({
      %run_scoped3A = tpu.sem_alloc : memref<!tpu.dma_semaphore, #tpu.memory_space<semaphore_mem>>
      %dma_start3A_169 = arith.constant 0 : i32
      %dma_start3A_170 = tpu.memref_slice %arg5[%arg0, %mul3A_168, %dma_start3A_169] : memref<2x10240x128xf32, #tpu.memory_space<hbm>> -> memref<1x640x128xf32, #tpu.memory_space<hbm>>
      %dma_start3A_171 = tpu.memref_squeeze %dma_start3A_170 : memref<1x640x128xf32, #tpu.memory_space<hbm>> -> memref<640x128xf32, #tpu.memory_space<hbm>>
      %dma_start3A_172 = arith.constant 0 : i32
      %dma_start3A_173 = tpu.memref_slice %arg10[%mul3A_166, %dma_start3A_172] : memref<10240x128xf32, #tpu.memory_space<vmem_shared>> -> memref<640x128xf32, #tpu.memory_space<vmem_shared>>
      tpu.enqueue_dma source(%dma_start3A_173 : memref<640x128xf32, #tpu.memory_space<vmem_shared>>) target(%dma_start3A_171 : memref<640x128xf32, #tpu.memory_space<hbm>>) target_semaphore(%run_scoped3A : memref<!tpu.dma_semaphore, #tpu.memory_space<semaphore_mem>>)
      %dma_wait3A_174 = arith.constant 0 : i32
      %dma_wait3A_175 = tpu.memref_slice %arg5[%arg0, %mul3A_168, %dma_wait3A_174] : memref<2x10240x128xf32, #tpu.memory_space<hbm>> -> memref<1x640x128xf32, #tpu.memory_space<hbm>>
      %dma_wait3A_176 = tpu.memref_squeeze %dma_wait3A_175 : memref<1x640x128xf32, #tpu.memory_space<hbm>> -> memref<640x128xf32, #tpu.memory_space<hbm>>
      %dma_wait3A_177 = arith.constant 0 : i32
      %dma_wait3A_178 = tpu.memref_slice %arg10[%mul3A_166, %dma_wait3A_177] : memref<10240x128xf32, #tpu.memory_space<vmem_shared>> -> memref<640x128xf32, #tpu.memory_space<vmem_shared>>
      tpu.wait_dma2 semaphore(%run_scoped3A : memref<!tpu.dma_semaphore, #tpu.memory_space<semaphore_mem>>) src(%dma_wait3A_178 : memref<640x128xf32, #tpu.memory_space<vmem_shared>>) dst(%dma_wait3A_176 : memref<640x128xf32, #tpu.memory_space<hbm>>)
      tpu.yield
    }) : () -> ()
    return
  }
}

module attributes {stable_mosaic.version = 14 : i64} {
  func.func @_scale_body(%arg0: memref<10000x128xf32, #tpu.memory_space<vmem>>, %arg1: memref<10000x1xf32, #tpu.memory_space<vmem>>, %arg2: memref<10240x128xf32, #tpu.memory_space<vmem>>) attributes {dimension_semantics = [], scalar_prefetch = 0 : i64, scratch_operands = 0 : i64, tpu.core_type = #tpu.core_type<tc>} {
    %get3A = arith.constant 0 : index
    %get3A_0 = arith.constant 0 : index
    %get3A_1 = vector.load %arg1[%get3A, %get3A_0] : memref<10000x1xf32, #tpu.memory_space<vmem>>, vector<10000x1xf32>
    %max3A = arith.constant 1.000000e+00 : f32
    %max3A_2 = vector.broadcast %max3A : f32 to vector<10000x1xf32>
    %max3A_3 = arith.maximumf %get3A_1, %max3A_2 : vector<10000x1xf32>
    %rsqrt3A = math.rsqrt %max3A_3 : vector<10000x1xf32>
    %get3A_4 = arith.constant 0 : index
    %get3A_5 = arith.constant 0 : index
    %get3A_6 = vector.load %arg0[%get3A_4, %get3A_5] : memref<10000x128xf32, #tpu.memory_space<vmem>>, vector<10000x128xf32>
    %mul3A = vector.broadcast %rsqrt3A : vector<10000x1xf32> to vector<10000x128xf32>
    %mul3A_7 = arith.mulf %get3A_6, %mul3A : vector<10000x128xf32>
    %swap3A = arith.constant 0 : index
    %swap3A_8 = arith.constant 0 : index
    %swap3A_9 = vector.load %arg2[%swap3A, %swap3A_8] : memref<10240x128xf32, #tpu.memory_space<vmem>>, vector<10000x128xf32>
    tpu.vector_store %arg2[%swap3A, %swap3A_8], %mul3A_7 {strides = array<i32>} : memref<10240x128xf32, #tpu.memory_space<vmem>>, vector<10000x128xf32>,
    %broadcast_in_dim3A = arith.constant 0.000000e+00 : f32
    %broadcast_in_dim3A_10 = vector.broadcast %broadcast_in_dim3A : f32 to vector<240x128xf32>
    %swap3A_11 = arith.constant 10000 : index
    %swap3A_12 = arith.constant 0 : index
    %swap3A_13 = vector.load %arg2[%swap3A_11, %swap3A_12] : memref<10240x128xf32, #tpu.memory_space<vmem>>, vector<240x128xf32>
    tpu.vector_store %arg2[%swap3A_11, %swap3A_12], %broadcast_in_dim3A_10 {strides = array<i32>} : memref<10240x128xf32, #tpu.memory_space<vmem>>, vector<240x128xf32>,
    return
  }
}

module attributes {stable_mosaic.version = 14 : i64} {
  func.func @_finish_body(%arg0: memref<2x10240x128xf32, #tpu.memory_space<vmem>>, %arg1: memref<10000x1xf32, #tpu.memory_space<vmem>>, %arg2: memref<128x128xf32, #tpu.memory_space<vmem>>, %arg3: memref<1x128xf32, #tpu.memory_space<vmem>>, %arg4: memref<10000x128xf32, #tpu.memory_space<vmem>>, %arg5: memref<10000x128xf32, #tpu.memory_space<vmem>>) attributes {dimension_semantics = [], scalar_prefetch = 0 : i64, scratch_operands = 0 : i64, tpu.core_type = #tpu.core_type<tc>} {
    %get3A = arith.constant 0 : index
    %get3A_0 = arith.constant 0 : index
    %get3A_1 = arith.constant 0 : index
    %get3A_2 = vector.load %arg0[%get3A, %get3A_0, %get3A_1] : memref<2x10240x128xf32, #tpu.memory_space<vmem>>, vector<1x10000x128xf32>
    %get3A_3 = vector.shape_cast %get3A_2 : vector<1x10000x128xf32> to vector<10000x128xf32>
    %get3A_4 = arith.constant 1 : index
    %get3A_5 = arith.constant 0 : index
    %get3A_6 = arith.constant 0 : index
    %get3A_7 = vector.load %arg0[%get3A_4, %get3A_5, %get3A_6] : memref<2x10240x128xf32, #tpu.memory_space<vmem>>, vector<1x10000x128xf32>
    %get3A_8 = vector.shape_cast %get3A_7 : vector<1x10000x128xf32> to vector<10000x128xf32>
    %add3A = arith.addf %get3A_3, %get3A_8 : vector<10000x128xf32>
    %get3A_9 = arith.constant 0 : index
    %get3A_10 = arith.constant 0 : index
    %get3A_11 = vector.load %arg1[%get3A_9, %get3A_10] : memref<10000x1xf32, #tpu.memory_space<vmem>>, vector<10000x1xf32>
    %max3A = arith.constant 1.000000e+00 : f32
    %max3A_12 = vector.broadcast %max3A : f32 to vector<10000x1xf32>
    %max3A_13 = arith.maximumf %get3A_11, %max3A_12 : vector<10000x1xf32>
    %rsqrt3A = math.rsqrt %max3A_13 : vector<10000x1xf32>
    %mul3A = vector.broadcast %rsqrt3A : vector<10000x1xf32> to vector<10000x128xf32>
    %mul3A_14 = arith.mulf %add3A, %mul3A : vector<10000x128xf32>
    %get3A_15 = arith.constant 0 : index
    %get3A_16 = arith.constant 0 : index
    %get3A_17 = vector.load %arg2[%get3A_15, %get3A_16] : memref<128x128xf32, #tpu.memory_space<vmem>>, vector<128x128xf32>
    %dot_general3A = arith.constant dense<0.000000e+00> : vector<10000x128xf32>
    %dot_general3A_18 = tpu.matmul %mul3A_14, %get3A_17, %dot_general3A {dimension_numbers = #tpu.dot_dimension_numbers<[1], [0], [0], [1], [0, 0, 1, 1], [], []>, transpose_lhs_hint = false} : vector<10000x128xf32>, vector<128x128xf32>, vector<10000x128xf32> -> vector<10000x128xf32>
    %get3A_19 = arith.constant 0 : index
    %get3A_20 = arith.constant 0 : index
    %get3A_21 = vector.load %arg3[%get3A_19, %get3A_20] : memref<1x128xf32, #tpu.memory_space<vmem>>, vector<1x128xf32>
    %add3A_22 = vector.broadcast %get3A_21 : vector<1x128xf32> to vector<10000x128xf32>
    %add3A_23 = arith.addf %dot_general3A_18, %add3A_22 : vector<10000x128xf32>
    %reduce_sum3A = arith.constant dense<0.000000e+00> : vector<10000xf32>
    %reduce_sum3A_24 = vector.multi_reduction <add>, %add3A_23, %reduce_sum3A [1] : vector<10000x128xf32> to vector<10000xf32>
    %broadcast_in_dim3A = vector.shape_cast %reduce_sum3A_24 : vector<10000xf32> to vector<10000x1xf32>
    %div3A = arith.constant 1.280000e+02 : f32
    %div3A_25 = vector.broadcast %div3A : f32 to vector<10000x1xf32>
    %div3A_26 = arith.divf %broadcast_in_dim3A, %div3A_25 : vector<10000x1xf32>
    %mul3A_27 = arith.mulf %add3A_23, %add3A_23 : vector<10000x128xf32>
    %reduce_sum3A_28 = arith.constant dense<0.000000e+00> : vector<10000xf32>
    %reduce_sum3A_29 = vector.multi_reduction <add>, %mul3A_27, %reduce_sum3A_28 [1] : vector<10000x128xf32> to vector<10000xf32>
    %broadcast_in_dim3A_30 = vector.shape_cast %reduce_sum3A_29 : vector<10000xf32> to vector<10000x1xf32>
    %div3A_31 = arith.constant 1.280000e+02 : f32
    %div3A_32 = vector.broadcast %div3A_31 : f32 to vector<10000x1xf32>
    %div3A_33 = arith.divf %broadcast_in_dim3A_30, %div3A_32 : vector<10000x1xf32>
    %mul3A_34 = arith.mulf %div3A_26, %div3A_26 : vector<10000x1xf32>
    %sub3A = arith.subf %div3A_33, %mul3A_34 : vector<10000x1xf32>
    %sub3A_35 = vector.broadcast %div3A_26 : vector<10000x1xf32> to vector<10000x128xf32>
    %sub3A_36 = arith.subf %add3A_23, %sub3A_35 : vector<10000x128xf32>
    %add3A_37 = arith.constant 9.99999974E-6 : f32
    %add3A_38 = vector.broadcast %add3A_37 : f32 to vector<10000x1xf32>
    %add3A_39 = arith.addf %sub3A, %add3A_38 : vector<10000x1xf32>
    %rsqrt3A_40 = math.rsqrt %add3A_39 : vector<10000x1xf32>
    %mul3A_41 = vector.broadcast %rsqrt3A_40 : vector<10000x1xf32> to vector<10000x128xf32>
    %mul3A_42 = arith.mulf %sub3A_36, %mul3A_41 : vector<10000x128xf32>
    %max3A_43 = arith.constant 0.000000e+00 : f32
    %max3A_44 = vector.broadcast %max3A_43 : f32 to vector<10000x128xf32>
    %max3A_45 = arith.maximumf %mul3A_42, %max3A_44 : vector<10000x128xf32>
    %get3A_46 = arith.constant 0 : index
    %get3A_47 = arith.constant 0 : index
    %get3A_48 = vector.load %arg4[%get3A_46, %get3A_47] : memref<10000x128xf32, #tpu.memory_space<vmem>>, vector<10000x128xf32>
    %add3A_49 = arith.addf %max3A_45, %get3A_48 : vector<10000x128xf32>
    %swap3A = arith.constant 0 : index
    %swap3A_50 = arith.constant 0 : index
    %swap3A_51 = vector.load %arg5[%swap3A, %swap3A_50] : memref<10000x128xf32, #tpu.memory_space<vmem>>, vector<10000x128xf32>
    tpu.vector_store %arg5[%swap3A, %swap3A_50], %add3A_49 {strides = array<i32>} : memref<10000x128xf32, #tpu.memory_space<vmem>>, vector<10000x128xf32>,
    return
  }
}

</mosaic_0001>

<sc_bundles>
// kernel: kernel.6.cloned.1.call-start
scs
__scs_entry_jumppad:
0x0: {  	(pc) =	sbr.rel $0x88, $3  }
0x1: {  	(tag) =	ssettag $0x0;
	lr =	simm.s32 $0x1  }
0x2: {  	[smem:$0x3F9D] =	sst lr;
	_ =	strace $0xD0000000  }
0x3: {  	_ = 	snop  }
0x4: {  	_ = 	snop  }
0x5: {  	_ = 	snop  }
0x6: {  	_ = 	snop  }
0x7: {  	_ = 	snop  }
__scs_overlays_trampoline_lowered:
0x8: {  	[smem:$0x3FAC] =	sst s0  }
0x9: {  	[smem:$0x3FAD] =	sst s1  }
0xa: {  	[smem:$0x3FAE] =	sst s2  }
0xb: {  	[smem:$0x3FAF] =	sst s3  }
0xc: {  	[smem:$0x3FB0] =	sst s4  }
0xd: {  	[smem:$0x3FB1] =	sst s5  }
0xe: {  	[smem:$0x3FB2] =	sst s6  }
0xf: {  	[smem:$0x3FB3] =	sst s7  }
0x10: {  	[smem:$0x3FB4] =	sst s8  }
0x11: {  	[smem:$0x3FB5] =	sst s9;
	s0 =	simm.s32 @!p0 $0x0  }
0x12: {  	s1 =	sld [smem:$0x3F9B];
	s0 =	simm.s32 @p0 $0x1  }
0x13: {  	[smem:$0x3FB6] =	sst s0;
	s0 =	simm.s32 @!p1 $0x0  }
0x14: {  	s2 =	sld [smem:$0x3F9A];
	s0 =	simm.s32 @p1 $0x1  }
0x15: {  	[smem:$0x3FB7] =	sst s0;
	s0 =	simm.s32 @!p2 $0x0  }
0x16: {  	s3 =	sld [smem:$0x3FDB];
	s0 =	simm.s32 @p2 $0x1  }
0x17: {  	s4 =	simm.s32 $0x1BF5;
	[smem:$0x3FB9] =	sst s0  }
0x18: {  	s0 =	sld [smem:$0x3F9C];
	_ =	swait.ge [sflag:s4], $0x0  }
0x19: {  	s7 =	sld [smem:$0x3F9D]  }
0x1a: {  	s8 =	sadd.s32 $0xFFFFE003, lr  }
0x1b: {  	s9 =	sadd.s32 $0xFFFFFEF7, lr;
	s5 =	simm.s32 $0xFFFFFFFF;
	p2 =	slt.u32 s8, $0xFFFFF086  }
0x1c: {  	p1 =	slt.u32 s9, $0xF7A;
	s5 =	simm.s32 @!p2 $0x0  }
0x1d: {  	s5 =	simm.s32 @p1 $0x1;
	p0 =	seq.s32 s7, s2  }
0x1e: {  	s7 =	smul.u32 @!p0 $0xF7A, s2;
	p2 =	seq.s32 @!p0 s5, $0x0  }
0x1f: {  	s9 =	smul.u32 $0xF7A, s1;
	s8 =	simm.s32 @!p0 $0x1BF5;
	p2 =	por !p2, p0  }
0x20: {  	[sflag:s8] =	ssyncset.s32 @!p0 $0xFFFFF086;
	s6 =	sadd.s32 @!p0 s3, s7;
	s7 =	simm.s32 @!p0 $0x108  }
0x21: {  	s3 =	sadd.s32 s3, s9;
	s6 =	sadd.s32 @!p0 $0x88, s6;
	s7 =	simm.s32 @p2 $0x1082  }
0x22: {  	[simem:s7], [sflag:s8] =	dma.local @!p0 [hbm:s6], $0xF7A  }
0x23: {  	s9 =	sor.u32 $0xD0000000, s2;
	s6 =	simm.s32 $0x108;
	_ =	swait.ge @!p0 [sflag:s8], $0x0  }
0x24: {  	s3 =	sadd.s32 $0x88, s3;
	s6 =	simm.s32 @!p1 $0x1082;
	[sflag:s4] =	ssyncset.s32 $0xFFFFF086  }
0x25: {  	[simem:s6], [sflag:s4] =	dma.local [hbm:s3], $0xF7A  }
0x26: {  	[smem:$0x3F9D] =	sst s1;
	(tag) =	ssettag s2;
	_ =	strace s9  }
0x27: {  	s1 =	sld [smem:$0x3FAD]  }
0x28: {  	s2 =	sld [smem:$0x3FAE]  }
0x29: {  	s4 =	sld [smem:$0x3FB0]  }
0x2a: {  	p0 =	seq.s32 s5, $0x0;
	s5 =	sld [smem:$0x3FB1]  }
0x2b: {  	s6 =	sld [smem:$0x3FB2]  }
0x2c: {  	s7 =	sld [smem:$0x3FB3]  }
0x2d: {  	s3 =	simm.s32 $0x108;
	s8 =	sld [smem:$0x3FB4]  }
0x2e: {  	s3 =	simm.s32 @!p0 $0x1082;
	s9 =	sld [smem:$0x3FB5]  }
0x2f: {  	lr =	sadd.s32 s0, s3;
	s0 =	sld [smem:$0x3FAC]  }
0x30: {  	s3 =	sld [smem:$0x3FAF]  }
0x31: {  	[smem:$0x3FB8] =	sst s10  }
0x32: {  	s10 =	sld [smem:$0x3FB6];
	_ =	sdelay $0x3  }
0x33: {  	p0 =	seq.s32 s10, $0x1;
	s10 =	sld [smem:$0x3FB8];
	_ =	sdelay $0x3  }
0x34: {  	[smem:$0x3FB8] =	sst s10  }
0x35: {  	s10 =	sld [smem:$0x3FB7];
	_ =	sdelay $0x3  }
0x36: {  	p1 =	seq.s32 s10, $0x1;
	s10 =	sld [smem:$0x3FB8];
	_ =	sdelay $0x3  }
0x37: {  	[smem:$0x3FB8] =	sst s10  }
0x38: {  	s10 =	sld [smem:$0x3FB9]  }
0x39: {  	_ = 	snop;
	(pc) =	sbr.ind lr, $3  }
0x3a: {  	_ = 	snop  }
0x3b: {  	_ = 	snop  }
0x3c: {  	p2 =	seq.s32 s10, $0x1;
	s10 =	sld [smem:$0x3FB8]  }
0x3d: {  	_ =	shalt  }
0x3e: {  	_ =	shalt  }
0x3f: {  	_ =	shalt  }
0x40: {  	_ =	shalt  }
0x41: {  	_ =	shalt  }
0x42: {  	_ =	shalt  }
0x43: {  	_ =	shalt  }
0x44: {  	_ =	shalt  }
0x45: {  	_ =	shalt  }
0x46: {  	_ =	shalt  }
0x47: {  	_ =	shalt  }
0x48: {  	_ =	shalt  }
0x49: {  	_ =	shalt  }
0x4a: {  	_ =	shalt  }
0x4b: {  	_ =	shalt  }
0x4c: {  	_ =	shalt  }
0x4d: {  	_ =	shalt  }
0x4e: {  	_ =	shalt  }
0x4f: {  	_ =	shalt  }
0x50: {  	_ =	shalt  }
0x51: {  	_ =	shalt  }
0x52: {  	_ =	shalt  }
0x53: {  	_ =	shalt  }
0x54: {  	_ =	shalt  }
0x55: {  	_ =	shalt  }
0x56: {  	_ =	shalt  }
0x57: {  	_ =	shalt  }
0x58: {  	_ =	shalt  }
0x59: {  	_ =	shalt  }
0x5a: {  	_ =	shalt  }
0x5b: {  	_ =	shalt  }
0x5c: {  	_ =	shalt  }
0x5d: {  	_ =	shalt  }
0x5e: {  	_ =	shalt  }
0x5f: {  	_ =	shalt  }
0x60: {  	_ =	shalt  }
0x61: {  	_ =	shalt  }
0x62: {  	_ =	shalt  }
0x63: {  	_ =	shalt  }
0x64: {  	_ =	shalt  }
0x65: {  	_ =	shalt  }
0x66: {  	_ =	shalt  }
0x67: {  	_ =	shalt  }
0x68: {  	_ =	shalt  }
0x69: {  	_ =	shalt  }
0x6a: {  	_ =	shalt  }
0x6b: {  	_ =	shalt  }
0x6c: {  	_ =	shalt  }
0x6d: {  	_ =	shalt  }
0x6e: {  	_ =	shalt  }
0x6f: {  	_ =	shalt  }
0x70: {  	_ =	shalt  }
0x71: {  	_ =	shalt  }
0x72: {  	_ =	shalt  }
0x73: {  	_ =	shalt  }
0x74: {  	_ =	shalt  }
0x75: {  	_ =	shalt  }
0x76: {  	_ =	shalt  }
0x77: {  	_ =	shalt  }
0x78: {  	_ =	shalt  }
0x79: {  	_ =	shalt  }
0x7a: {  	_ =	shalt  }
0x7b: {  	_ =	shalt  }
0x7c: {  	_ =	shalt  }
0x7d: {  	_ =	shalt  }
0x7e: {  	_ =	shalt  }
0x7f: {  	_ =	shalt  }
0x80: {  	_ =	shalt  }
0x81: {  	_ =	shalt  }
0x82: {  	_ =	shalt  }
0x83: {  	_ =	shalt  }
0x84: {  	_ =	shalt  }
0x85: {  	_ =	shalt  }
0x86: {  	_ =	shalt  }
0x87: {  	_ =	shalt  }
.Lfunc_end0:
.L_simem_size_0:
called_computation_lowered:
.L_overlay_start_0:
0x88: {  	s2 =	sld [smem:$0x3FD9]  }
0x89: {  	s3 =	sld [smem:$0x3FFE];
	_ =	sdelay $0x1  }
0x8a: {  	s1 =	srdreg.scid  }
0x8b: {  	s0 =	sand.u32 $0x1, s1  }
0x8c: {  	s17 =	sshll.u32 s0, $0xA;
	s2 =	sadd.s32 s3, s2  }
0x8d: {  	s2 =	sadd.s32 s2, s17  }
0x8e: {  	[smem:$0x3FC4] =	sst s2  }
0x8f: {  	_ = 	snop  }
0x90: {  	s2 =	sld [smem:$0x3FD0];
	(tm) =	ssettm $0x1  }
0x91: {  	s18 =	sld [smem:$0x3FFB];
	_ =	sdelay $0x3  }
0x92: {  	_ =	strace s18  }
0x93: {  	s3 =	sld [smem:$0x3FFC];
	_ =	sdelay $0x3  }
0x94: {  	_ =	strace s3  }
0x95: {  	s3 =	sld [smem:$0x3FFD];
	_ =	sdelay $0x3  }
0x96: {  	_ =	strace s3  }
0x97: {  	_ =	strace $0x8FFFFFFF  }
0x98: {  	s19 =	sld [smem:$0x3FDB];
	_ =	sdelay $0x1  }
0x99: {  	s4 =	simm.s32 $_scs_section_size  }
0x9a: {  	s5 =	simm.s32 $_size__tile_overlayer_lowered;
	s6 =	simm.s32 $_tile_overlayer_lowered  }
0x9b: {  	s22 =	simm.s32 $0x1BFF;
	s21 =	sshll.u32 s6, $0x1;
	s3 =	sadd.s32 s4, s19  }
0x9c: {  	s7 =	simm.s32 $0x0;
	s20 =	sshll.u32 s5, $0x1;
	s5 =	sadd.s32 s21, s3  }
0x9d: {  	[timem:s7], [sflag:s22] =	dma.local [hbm:s5], s20  }
0x9e: {  	_ =	swait.ge [sflag:s22], s20  }
0x9f: {  	s4 =	ssub.s32 $0x0, s20;
	[sflag:s22] =	ssyncset.done $0x0  }
0xa0: {  	[sflag:s22] =	ssyncadd.s32 s4;
	_ =	sdelay $0x1  }
0xa1: {  	s23 =	simm.s32 $0x1B8B  }
0xa2: {  	_ =	swait.ge [sflag:s23], $0x1  }
0xa3: {  	[sflag:s23] =	ssyncset.done $0x0  }
0xa4: {  	s25 =	simm.s32 $0x1B8E;
	s24 =	sld [smem:$0x3FFE];
	[sflag:s23] =	ssyncadd.s32 $0xFFFFFFFF  }
0xa5: {  	s26 =	simm.s32 $execute0_lowered;
	[smem:$0x3FD2] =	sst s25  }
0xa6: {  	s5 =	sshll.u32 s26, $0x1;
	_ =	strace $0x80000046;
	[dreg:$0x1] =	wrdreg $0xFFFFFFFF  }
0xa7: {  	s28 =	simm.s32 $_size_execute0_lowered;
	s3 =	sadd.s32 s3, s5;
	[dreg:$0x0] =	wrdreg $0x0  }
0xa8: {  	s5 =	sshll.u32 s28, $0x1;
	[dreg:$0x2] =	wrdreg s3  }
0xa9: {  	[dreg:$0x3] =	wrdreg s5  }
0xaa: {  	[dreg:$0x4] =	wrdreg $0xC0  }
0xab: {  	_ =	task [dreg:s7], $0x5FFFF  }
0xac: {  	[dreg:$0x1] =	wrdreg $0xFFFFFFFF  }
0xad: {  	[dreg:$0x0] =	wrdreg $0x60  }
0xae: {  	[dreg:$0x2] =	wrdreg s2  }
0xaf: {  	[dreg:$0x3] =	wrdreg s24  }
0xb0: {  	[dreg:$0x4] =	wrdreg $0x53000  }
0xb1: {  	[dreg:$0x5] =	wrdreg $0x9  }
0xb2: {  	_ =	task.clear_ibuf [dreg:s7], $0x6FFFF;
	_ =	strace $0x90000046  }
0xb3: {  	s29 =	simm.s32 $0x9;
	_ =	strace $0x80000048  }
0xb4: {  	_ =	swait.ge [sflag:s29], $0x1  }
0xb5: {  	[sflag:s29] =	ssyncadd.s32 $0xFFFFFFFF  }
0xb6: {  	_ =	strace $0x90000048  }
0xb7: {  	_ =	sfence  }
0xb8: {  	s30 =	sld [smem:$0x0];
	_ =	sdelay $0x2  }
0xb9: {  	s31 =	sshll.u32 s1, $0xD;
	s1 =	sshrl.u32 s1, $0x2  }
0xba: {  	s3 =	sand.u32 $0x4000, s31;
	s1 =	sadd.s32 s1, s30  }
0xbb: {  	s0 =	sor.u32 s3, s0;
	s1 =	sshll.u32 s1, $0x11  }
0xbc: {  	s0 =	sor.u32 s1, s0  }
0xbd: {  	s0 =	sadd.s32 $0x8F2B, s0  }
0xbe: {  	[sflag:s0] =	ssyncadd.remote.s32 $0x1  }
0xbf: {  	_ =	sfence.sel $0xFFFF  }
0xc0: {  	[dreg:$0x0] =	wrdreg $0xFFFFFFFF;
	(pc) =	sbr.abs _section_cstart, $3  }
0xc1: {  	[dreg:$0x1] =	wrdreg $0xFFFFFFFF  }
0xc2: {  	_ =	task.clear_ibuf [dreg:s7], $0x2FFFF;
	_ =	strace $0x9FFFFFFF  }
0xc3: {  	(tm) =	ssettm $0x7FFFFFFF  }
tec
execute0_lowered:
.L_overlay_start_1:
0x0: {  	(tag) =	ssettag $0x1  }
0x1: {  	s5 =	rddreg [dreg:$0x0];
	s1 =	srdreg.scid  }
0x2: {  	s0 =	stileid.u32;
	s4 =	rddreg [dreg:$0x1]  }
0x3: {  	s2 =	rddreg [dreg:$0x2];
	s3 =	simm.s32 $0x0;
	s7 =	smul.u32 $0x280, s0  }
0x4: {  	s12 =	simm.s32 $0x1;
	s6 =	sand.u32 $0x1, s1;
	s10 =	smul.u32 $0xA00, s0  }
0x5: {  	s13 =	simm.s32 $0x0;
	s1 =	rddreg [dreg:$0x3];
	s8 =	smul.u32 $0x2800, s6  }
0x6: {  	[smem:$0x7FF] =	sst s3;
	s9 =	smul.u32 $0xA000, s6;
	s6 =	ssub.s32 $0x2, s6  }
0x7: {  	_ =	strace $0x80000047;
	s30 =	sshrl.u32 s6, $0x1;
	s8 =	sadd.s32 s7, s8  }
0x8: {  	s11 =	ssub.s32 s6, s30;
	s31 =	sadd.s32 s10, s9;
	s9 =	simm.s32 $0x2  }
0x9: {  	s10 =	simm.s32 $0x80;
	s8 =	sshrl.u32 s8, $0x3;
	s5 =	sadd.s32 s5, s31  }
0xa: {  	s8 =	sadd.s32 s8, s4;
	s4 =	sadd.s32 s7, s2;
	s7 =	smax.u32 s11, $0x1  }
0xb: {  	v0 =	vimm.f32 $0.0e+00;
	v1 =	vimm.f32 $1.000000000e+00;
	s11 =	simm.s32 $0x5000;
	s6 =	sadd.s32 $0x1C00, s8;
	s8 =	simm.s32 $0x5080  }
.LBB2_1:
0xc: {  	[tilespmem:$0x5080] =	vst v0  }
0xd: {  	[tilespmem:$0x5090] =	vst v0  }
0xe: {  	[tilespmem:$0x50A0] =	vst v0  }
0xf: {  	[tilespmem:$0x50B0] =	vst v0  }
0x10: {  	[tilespmem:$0x50C0] =	vst v0  }
0x11: {  	[tilespmem:$0x50D0] =	vst v0  }
0x12: {  	[tilespmem:$0x50E0] =	vst v0  }
0x13: {  	[tilespmem:$0x50F0] =	vst v0  }
0x14: {  	[tilespmem:$0x5100] =	vst v0  }
0x15: {  	[tilespmem:$0x5110] =	vst v0  }
0x16: {  	[tilespmem:$0x5120] =	vst v0  }
0x17: {  	[tilespmem:$0x5130] =	vst v0  }
0x18: {  	[tilespmem:$0x5140] =	vst v0  }
0x19: {  	[tilespmem:$0x5150] =	vst v0  }
0x1a: {  	[tilespmem:$0x5160] =	vst v0  }
0x1b: {  	[tilespmem:$0x5170] =	vst v0  }
0x1c: {  	[tilespmem:$0x5180] =	vst v0  }
0x1d: {  	[tilespmem:$0x5190] =	vst v0  }
0x1e: {  	[tilespmem:$0x51A0] =	vst v0  }
0x1f: {  	[tilespmem:$0x51B0] =	vst v0  }
0x20: {  	[tilespmem:$0x51C0] =	vst v0  }
0x21: {  	[tilespmem:$0x51D0] =	vst v0  }
0x22: {  	[tilespmem:$0x51E0] =	vst v0  }
0x23: {  	[tilespmem:$0x51F0] =	vst v0  }
0x24: {  	[tilespmem:$0x5200] =	vst v0  }
0x25: {  	[tilespmem:$0x5210] =	vst v0  }
0x26: {  	[tilespmem:$0x5220] =	vst v0  }
0x27: {  	[tilespmem:$0x5230] =	vst v0  }
0x28: {  	[tilespmem:$0x5240] =	vst v0  }
0x29: {  	[tilespmem:$0x5250] =	vst v0  }
0x2a: {  	[tilespmem:$0x5260] =	vst v0  }
0x2b: {  	[tilespmem:$0x5270] =	vst v0  }
0x2c: {  	[tilespmem:$0x5280] =	vst v0  }
0x2d: {  	[tilespmem:$0x5290] =	vst v0  }
0x2e: {  	[tilespmem:$0x52A0] =	vst v0  }
0x2f: {  	[tilespmem:$0x52B0] =	vst v0  }
0x30: {  	[tilespmem:$0x52C0] =	vst v0  }
0x31: {  	[tilespmem:$0x52D0] =	vst v0  }
0x32: {  	[tilespmem:$0x52E0] =	vst v0  }
0x33: {  	[tilespmem:$0x52F0] =	vst v0  }
0x34: {  	[tilespmem:$0x5000] =	vst v1  }
0x35: {  	[tilespmem:$0x5010] =	vst v1  }
0x36: {  	[tilespmem:$0x5020] =	vst v1  }
0x37: {  	[tilespmem:$0x5030] =	vst v1  }
0x38: {  	[tilespmem:$0x5040] =	vst v1  }
0x39: {  	[tilespmem:$0x5050] =	vst v1  }
0x3a: {  	[tilespmem:$0x5060] =	vst v1  }
0x3b: {  	[tilespmem:$0x5070] =	vst v1  }
0x3c: {  	[spmem:s4] =	stream.linear.scatter [tilespmem:s8], [sflag:$0x2], $0x280, $0x38;
	[tilespmem:$0x5580] =	vst v63  }
0x3d: {  	_ =	swait.ge [sflag:s9], $0x280  }
0x3e: {  	[sflag:s9] =	ssyncset.done $0x0  }
0x3f: {  	[sflag:s9] =	ssyncadd.s32 $0xFFFFFD80  }
0x40: {  	[tilespmem:s3], [sflag:$0x2] =	stream.linear.gather [hbm4b:s5+s3], $0x5000, $0x38;
	[tilespmem:$0x5580] =	vst v63  }
0x41: {  	_ =	swait.ge [sflag:s9], $0x5000  }
0x42: {  	[sflag:s9] =	ssyncset.done $0x0  }
0x43: {  	[sflag:s9] =	ssyncadd.s32 $0xFFFFB000  }
0x44: {  	s14 =	simm.s32 $0x0;
	[bflag:$0x0] =	sbarrier.arrive $0xFFFF  }
.LBB2_2:
0x45: {  	p0 =	sne.s32 s14, $0x13E00  }
.Ltmp0:
0x46: {  	_ = 	snop;
	(pc) =	sbr.rel @p0 .LBB2_2-.Ltmp0, $3  }
0x47: {  	_ =	sdelay $0x1  }
0x48: {  	s15 =	sshra.s32 s14, $0x2;
	s14 =	sadd.s32 $0x200, s14  }
0x49: {  	[spmem:s2] =	stream.indirect.scatter.add.f32 [tilespmem:s11], [sflag:$0x1], $0x1, s15, s10, $0xb8;
	[tilespmem:$0x5580] =	vst v63  }
0x4a: {  	_ =	swait.ge [sflag:s12], $0x80  }
0x4b: {  	s14 =	simm.s32 $0x9F;
	[sflag:s12] =	ssyncset.done $0x0  }
.LBB2_4:
0x4c: {  	p0 =	sne.s32 s14, $0x1;
	s14 =	sadd.s32 $0xFFFFFFFF, s14;
	[sflag:s12] =	ssyncadd.s32 $0xFFFFFF80  }
.Ltmp1:
0x4d: {  	(pc) =	sbr.rel @p0 .LBB2_4-.Ltmp1, $3  }
0x4e: {  	_ =	sdelay $0x1  }
0x4f: {  	_ =	swait.ge [sflag:s12], $0x80  }
0x50: {  	[sflag:s12] =	ssyncset.done $0x0  }
0x51: {  	[sflag:s12] =	ssyncadd.s32 $0xFFFFFF80  }
0x52: {  	[bflag:$0x0] =	sbarrier.arrive $0xFFFF  }
0x53: {  	[tilespmem:s8], [sflag:$0x2] =	stream.linear.gather [spmem:s4], $0x280, $0x38;
	[tilespmem:$0x5580] =	vst v63  }
0x54: {  	s13 =	sadd.s32 $0x1, s13;
	_ =	swait.ge [sflag:s9], $0x280  }
0x55: {  	p0 =	sne.s32 s13, s7;
	[sflag:s9] =	ssyncset.done $0x0  }
.Ltmp2:
0x56: {  	[sflag:s9] =	ssyncadd.s32 $0xFFFFFD80;
	(pc) =	sbr.rel @p0 .LBB2_1-.Ltmp2, $4  }
0x57: {  	[hbm4b:s6+s3] =	stream.linear.scatter [tilespmem:s8], [sflag:$0x2], $0x280, $0x38;
	[tilespmem:$0x5580] =	vst v63  }
0x58: {  	_ =	swait.ge [sflag:s9], $0x280  }
0x59: {  	[sflag:s9] =	ssyncset.done $0x0  }
0x5a: {  	[sflag:s9] =	ssyncadd.s32 $0xFFFFFD80  }
0x5b: {  	_ =	sfence.sel $0x180000  }
0x5c: {  	[bflag:$0x0] =	sbarrier.arrive $0xFFFF  }
0x5d: {  	p0 =	sne.s32 s0, $0x0;
	_ =	strace $0x90000047  }
0x5e: {  	s0 =	sadd.s32 @!p0 $0x100000, s1;
	[bflag:$0x2] =	sbarrier.arrive $0xFFFF  }
0x5f: {  	[sflag:s0] =	ssyncadd.tile.s32 @!p0 $0x1;
	_ =	shalt  }
.Lfunc_end2:
_tile_overlayer_lowered:
.L_overlay_start_2:
0x60: {  	(tag) =	ssettag $0x2  }
0x61: {  	s0 =	rddreg [dreg:$0x0];
	s2 =	stileid.u32  }
0x62: {  	s1 =	rddreg [dreg:$0x1];
	p0 =	sne.s32 s2, $0x0  }
0x63: {  	s3 =	rddreg [dreg:$0x2];
	[bflag:$0x3] =	sbarrier.arrive $0xFFFF;
	s2 =	simm.s32 @!p0 $0x1C02  }
0x64: {  	[timem:s3], [sflag:s2] =	dma.local @!p0 [hbm:s0], s1  }
0x65: {  	s0 =	simm.s32 @!p0 $0x2  }
0x66: {  	_ =	swait.ge @!p0 [sflag:s0], s1  }
0x67: {  	s1 =	ssub.s32 @!p0 $0x0, s1;
	[sflag:s0] =	ssyncset.done @!p0 $0x0  }
0x68: {  	[sflag:s0] =	ssyncadd.s32 @!p0 s1  }
0x69: {  	[bflag:$0x3] =	sbarrier.arrive $0xFFFF  }
0x6a: {  	_ =	shalt  }

// kernel: kernel.9.cloned.1.call-start
scs
__scs_entry_jumppad:
0x0: {  	(pc) =	sbr.rel $0x88, $3  }
0x1: {  	(tag) =	ssettag $0x0;
	lr =	simm.s32 $0x1  }
0x2: {  	[smem:$0x3F9D] =	sst lr;
	_ =	strace $0xD0000000  }
0x3: {  	_ = 	snop  }
0x4: {  	_ = 	snop  }
0x5: {  	_ = 	snop  }
0x6: {  	_ = 	snop  }
0x7: {  	_ = 	snop  }
__scs_overlays_trampoline_lowered:
0x8: {  	[smem:$0x3FAC] =	sst s0  }
0x9: {  	[smem:$0x3FAD] =	sst s1  }
0xa: {  	[smem:$0x3FAE] =	sst s2  }
0xb: {  	[smem:$0x3FAF] =	sst s3  }
0xc: {  	[smem:$0x3FB0] =	sst s4  }
0xd: {  	[smem:$0x3FB1] =	sst s5  }
0xe: {  	[smem:$0x3FB2] =	sst s6  }
0xf: {  	[smem:$0x3FB3] =	sst s7  }
0x10: {  	[smem:$0x3FB4] =	sst s8  }
0x11: {  	[smem:$0x3FB5] =	sst s9;
	s0 =	simm.s32 @!p0 $0x0  }
0x12: {  	s1 =	sld [smem:$0x3F9B];
	s0 =	simm.s32 @p0 $0x1  }
0x13: {  	[smem:$0x3FB6] =	sst s0;
	s0 =	simm.s32 @!p1 $0x0  }
0x14: {  	s2 =	sld [smem:$0x3F9A];
	s0 =	simm.s32 @p1 $0x1  }
0x15: {  	[smem:$0x3FB7] =	sst s0;
	s0 =	simm.s32 @!p2 $0x0  }
0x16: {  	s3 =	sld [smem:$0x3FDB];
	s0 =	simm.s32 @p2 $0x1  }
0x17: {  	s4 =	simm.s32 $0x1BF5;
	[smem:$0x3FB9] =	sst s0  }
0x18: {  	s0 =	sld [smem:$0x3F9C];
	_ =	swait.ge [sflag:s4], $0x0  }
0x19: {  	s7 =	sld [smem:$0x3F9D]  }
0x1a: {  	s8 =	sadd.s32 $0xFFFFE003, lr  }
0x1b: {  	s9 =	sadd.s32 $0xFFFFFEF7, lr;
	s5 =	simm.s32 $0xFFFFFFFF;
	p2 =	slt.u32 s8, $0xFFFFF086  }
0x1c: {  	p1 =	slt.u32 s9, $0xF7A;
	s5 =	simm.s32 @!p2 $0x0  }
0x1d: {  	s5 =	simm.s32 @p1 $0x1;
	p0 =	seq.s32 s7, s2  }
0x1e: {  	s7 =	smul.u32 @!p0 $0xF7A, s2;
	p2 =	seq.s32 @!p0 s5, $0x0  }
0x1f: {  	s9 =	smul.u32 $0xF7A, s1;
	s8 =	simm.s32 @!p0 $0x1BF5;
	p2 =	por !p2, p0  }
0x20: {  	[sflag:s8] =	ssyncset.s32 @!p0 $0xFFFFF086;
	s6 =	sadd.s32 @!p0 s3, s7;
	s7 =	simm.s32 @!p0 $0x108  }
0x21: {  	s3 =	sadd.s32 s3, s9;
	s6 =	sadd.s32 @!p0 $0x88, s6;
	s7 =	simm.s32 @p2 $0x1082  }
0x22: {  	[simem:s7], [sflag:s8] =	dma.local @!p0 [hbm:s6], $0xF7A  }
0x23: {  	s9 =	sor.u32 $0xD0000000, s2;
	s6 =	simm.s32 $0x108;
	_ =	swait.ge @!p0 [sflag:s8], $0x0  }
0x24: {  	s3 =	sadd.s32 $0x88, s3;
	s6 =	simm.s32 @!p1 $0x1082;
	[sflag:s4] =	ssyncset.s32 $0xFFFFF086  }
0x25: {  	[simem:s6], [sflag:s4] =	dma.local [hbm:s3], $0xF7A  }
0x26: {  	[smem:$0x3F9D] =	sst s1;
	(tag) =	ssettag s2;
	_ =	strace s9  }
0x27: {  	s1 =	sld [smem:$0x3FAD]  }
0x28: {  	s2 =	sld [smem:$0x3FAE]  }
0x29: {  	s4 =	sld [smem:$0x3FB0]  }
0x2a: {  	p0 =	seq.s32 s5, $0x0;
	s5 =	sld [smem:$0x3FB1]  }
0x2b: {  	s6 =	sld [smem:$0x3FB2]  }
0x2c: {  	s7 =	sld [smem:$0x3FB3]  }
0x2d: {  	s3 =	simm.s32 $0x108;
	s8 =	sld [smem:$0x3FB4]  }
0x2e: {  	s3 =	simm.s32 @!p0 $0x1082;
	s9 =	sld [smem:$0x3FB5]  }
0x2f: {  	lr =	sadd.s32 s0, s3;
	s0 =	sld [smem:$0x3FAC]  }
0x30: {  	s3 =	sld [smem:$0x3FAF]  }
0x31: {  	[smem:$0x3FB8] =	sst s10  }
0x32: {  	s10 =	sld [smem:$0x3FB6];
	_ =	sdelay $0x3  }
0x33: {  	p0 =	seq.s32 s10, $0x1;
	s10 =	sld [smem:$0x3FB8];
	_ =	sdelay $0x3  }
0x34: {  	[smem:$0x3FB8] =	sst s10  }
0x35: {  	s10 =	sld [smem:$0x3FB7];
	_ =	sdelay $0x3  }
0x36: {  	p1 =	seq.s32 s10, $0x1;
	s10 =	sld [smem:$0x3FB8];
	_ =	sdelay $0x3  }
0x37: {  	[smem:$0x3FB8] =	sst s10  }
0x38: {  	s10 =	sld [smem:$0x3FB9]  }
0x39: {  	_ = 	snop;
	(pc) =	sbr.ind lr, $3  }
0x3a: {  	_ = 	snop  }
0x3b: {  	_ = 	snop  }
0x3c: {  	p2 =	seq.s32 s10, $0x1;
	s10 =	sld [smem:$0x3FB8]  }
0x3d: {  	_ =	shalt  }
0x3e: {  	_ =	shalt  }
0x3f: {  	_ =	shalt  }
0x40: {  	_ =	shalt  }
0x41: {  	_ =	shalt  }
0x42: {  	_ =	shalt  }
0x43: {  	_ =	shalt  }
0x44: {  	_ =	shalt  }
0x45: {  	_ =	shalt  }
0x46: {  	_ =	shalt  }
0x47: {  	_ =	shalt  }
0x48: {  	_ =	shalt  }
0x49: {  	_ =	shalt  }
0x4a: {  	_ =	shalt  }
0x4b: {  	_ =	shalt  }
0x4c: {  	_ =	shalt  }
0x4d: {  	_ =	shalt  }
0x4e: {  	_ =	shalt  }
0x4f: {  	_ =	shalt  }
0x50: {  	_ =	shalt  }
0x51: {  	_ =	shalt  }
0x52: {  	_ =	shalt  }
0x53: {  	_ =	shalt  }
0x54: {  	_ =	shalt  }
0x55: {  	_ =	shalt  }
0x56: {  	_ =	shalt  }
0x57: {  	_ =	shalt  }
0x58: {  	_ =	shalt  }
0x59: {  	_ =	shalt  }
0x5a: {  	_ =	shalt  }
0x5b: {  	_ =	shalt  }
0x5c: {  	_ =	shalt  }
0x5d: {  	_ =	shalt  }
0x5e: {  	_ =	shalt  }
0x5f: {  	_ =	shalt  }
0x60: {  	_ =	shalt  }
0x61: {  	_ =	shalt  }
0x62: {  	_ =	shalt  }
0x63: {  	_ =	shalt  }
0x64: {  	_ =	shalt  }
0x65: {  	_ =	shalt  }
0x66: {  	_ =	shalt  }
0x67: {  	_ =	shalt  }
0x68: {  	_ =	shalt  }
0x69: {  	_ =	shalt  }
0x6a: {  	_ =	shalt  }
0x6b: {  	_ =	shalt  }
0x6c: {  	_ =	shalt  }
0x6d: {  	_ =	shalt  }
0x6e: {  	_ =	shalt  }
0x6f: {  	_ =	shalt  }
0x70: {  	_ =	shalt  }
0x71: {  	_ =	shalt  }
0x72: {  	_ =	shalt  }
0x73: {  	_ =	shalt  }
0x74: {  	_ =	shalt  }
0x75: {  	_ =	shalt  }
0x76: {  	_ =	shalt  }
0x77: {  	_ =	shalt  }
0x78: {  	_ =	shalt  }
0x79: {  	_ =	shalt  }
0x7a: {  	_ =	shalt  }
0x7b: {  	_ =	shalt  }
0x7c: {  	_ =	shalt  }
0x7d: {  	_ =	shalt  }
0x7e: {  	_ =	shalt  }
0x7f: {  	_ =	shalt  }
0x80: {  	_ =	shalt  }
0x81: {  	_ =	shalt  }
0x82: {  	_ =	shalt  }
0x83: {  	_ =	shalt  }
0x84: {  	_ =	shalt  }
0x85: {  	_ =	shalt  }
0x86: {  	_ =	shalt  }
0x87: {  	_ =	shalt  }
.Lfunc_end0:
.L_simem_size_0:
called_computation.1_lowered:
.L_overlay_start_0:
0x88: {  	s2 =	sld [smem:$0x3FD9]  }
0x89: {  	s3 =	sld [smem:$0x3FFE];
	_ =	sdelay $0x1  }
0x8a: {  	s1 =	srdreg.scid  }
0x8b: {  	s0 =	sand.u32 $0x1, s1  }
0x8c: {  	s16 =	sshll.u32 s0, $0xA;
	s2 =	sadd.s32 s3, s2  }
0x8d: {  	s2 =	sadd.s32 s2, s16  }
0x8e: {  	[smem:$0x3FC4] =	sst s2  }
0x8f: {  	_ = 	snop  }
0x90: {  	(tm) =	ssettm $0x1  }
0x91: {  	s17 =	sld [smem:$0x3FFB];
	_ =	sdelay $0x3  }
0x92: {  	_ =	strace s17  }
0x93: {  	s2 =	sld [smem:$0x3FFC];
	_ =	sdelay $0x3  }
0x94: {  	_ =	strace s2  }
0x95: {  	s2 =	sld [smem:$0x3FFD];
	_ =	sdelay $0x3  }
0x96: {  	_ =	strace s2  }
0x97: {  	_ =	strace $0x8FFFFFFF  }
0x98: {  	s18 =	sld [smem:$0x3FDB];
	_ =	sdelay $0x1  }
0x99: {  	s19 =	simm.s32 $_scs_section_size  }
0x9a: {  	s4 =	simm.s32 $_size__tile_overlayer_lowered;
	s5 =	simm.s32 $_tile_overlayer_lowered  }
0x9b: {  	s22 =	simm.s32 $0x1BFF;
	s21 =	sshll.u32 s5, $0x1;
	s2 =	sadd.s32 s19, s18  }
0x9c: {  	s6 =	simm.s32 $0x0;
	s20 =	sshll.u32 s4, $0x1;
	s4 =	sadd.s32 s21, s2  }
0x9d: {  	[timem:s6], [sflag:s22] =	dma.local [hbm:s4], s20  }
0x9e: {  	_ =	swait.ge [sflag:s22], s20  }
0x9f: {  	s3 =	ssub.s32 $0x0, s20;
	[sflag:s22] =	ssyncset.done $0x0  }
0xa0: {  	[sflag:s22] =	ssyncadd.s32 s3;
	_ =	sdelay $0x1  }
0xa1: {  	s23 =	simm.s32 $0x1B8B  }
0xa2: {  	_ =	swait.ge [sflag:s23], $0x1  }
0xa3: {  	[sflag:s23] =	ssyncset.done $0x0  }
0xa4: {  	s25 =	simm.s32 $0x1B8E;
	s24 =	sld [smem:$0x3FFE];
	[sflag:s23] =	ssyncadd.s32 $0xFFFFFFFF  }
0xa5: {  	s26 =	simm.s32 $execute0_lowered;
	[smem:$0x3FD2] =	sst s25  }
0xa6: {  	s4 =	sshll.u32 s26, $0x1;
	_ =	strace $0x80000049;
	[dreg:$0x1] =	wrdreg $0xFFFFFFFF  }
0xa7: {  	s28 =	simm.s32 $_size_execute0_lowered;
	s2 =	sadd.s32 s2, s4;
	[dreg:$0x0] =	wrdreg $0x0  }
0xa8: {  	s4 =	sshll.u32 s28, $0x1;
	[dreg:$0x2] =	wrdreg s2  }
0xa9: {  	[dreg:$0x3] =	wrdreg s4  }
0xaa: {  	[dreg:$0x4] =	wrdreg $0xC0  }
0xab: {  	_ =	task [dreg:s6], $0x5FFFF  }
0xac: {  	[dreg:$0x1] =	wrdreg $0xFFFFFFFF  }
0xad: {  	[dreg:$0x0] =	wrdreg $0x60  }
0xae: {  	[dreg:$0x2] =	wrdreg s24  }
0xaf: {  	[dreg:$0x3] =	wrdreg $0xA8000  }
0xb0: {  	[dreg:$0x4] =	wrdreg $0x9  }
0xb1: {  	_ =	task.clear_ibuf [dreg:s6], $0x5FFFF;
	_ =	strace $0x90000049  }
0xb2: {  	s29 =	simm.s32 $0x9;
	_ =	strace $0x8000004B  }
0xb3: {  	_ =	swait.ge [sflag:s29], $0x1  }
0xb4: {  	[sflag:s29] =	ssyncadd.s32 $0xFFFFFFFF  }
0xb5: {  	_ =	strace $0x9000004B  }
0xb6: {  	_ =	sfence  }
0xb7: {  	s30 =	sld [smem:$0x0];
	_ =	sdelay $0x2  }
0xb8: {  	s31 =	sshll.u32 s1, $0xD;
	s1 =	sshrl.u32 s1, $0x2  }
0xb9: {  	s3 =	sand.u32 $0x4000, s31;
	s1 =	sadd.s32 s1, s30  }
0xba: {  	s0 =	sor.u32 s3, s0;
	s1 =	sshll.u32 s1, $0x11  }
0xbb: {  	s0 =	sor.u32 s1, s0  }
0xbc: {  	s0 =	sadd.s32 $0x8F2B, s0  }
0xbd: {  	[sflag:s0] =	ssyncadd.remote.s32 $0x1  }
0xbe: {  	_ =	sfence.sel $0xFFFF  }
0xbf: {  	[dreg:$0x0] =	wrdreg $0xFFFFFFFF;
	(pc) =	sbr.abs _section_cstart, $3  }
0xc0: {  	[dreg:$0x1] =	wrdreg $0xFFFFFFFF  }
0xc1: {  	_ =	task.clear_ibuf [dreg:s6], $0x2FFFF;
	_ =	strace $0x9FFFFFFF  }
0xc2: {  	(tm) =	ssettm $0x7FFFFFFF  }
0xc3: {  	_ =	shalt  }
tec
execute0_lowered:
.L_overlay_start_1:
0x0: {  	(tag) =	ssettag $0x1  }
0x1: {  	s5 =	rddreg [dreg:$0x0]  }
0x2: {  	s1 =	rddreg [dreg:$0x1]  }
0x3: {  	s2 =	srdreg.scid;
	s0 =	rddreg [dreg:$0x2];
	s3 =	simm.s32 $0x0  }
0x4: {  	s17 =	simm.s32 $0x5;
	s18 =	simm.s32 $0x1400;
	s19 =	simm.s32 $0x80  }
0x5: {  	s20 =	simm.s32 $0x6800;
	s21 =	simm.s32 $0x1;
	s22 =	simm.s32 $0x3  }
0x6: {  	s23 =	simm.s32 $0x2;
	s24 =	simm.s32 $0x4;
	s25 =	simm.s32 $0x2700  }
0x7: {  	s26 =	simm.s32 $0x2780;
	s6 =	sand.u32 $0x1, s2;
	s2 =	stileid.u32  }
0x8: {  	[smem:$0x7FF] =	sst s3;
	s4 =	sadd.s32 $0x16600, s5;
	s7 =	smul.u32 $0x140000, s6  }
0x9: {  	s12 =	sadd.s32 $0xC600, s5;
	s13 =	sadd.s32 $0x2600, s5;
	s8 =	smul.u32 $0x14000, s2  }
0xa: {  	s28 =	smul.u32 $0x50000, s2;
	s29 =	ssub.s32 $0x2, s6;
	s6 =	sshll.u32 s6, $0x4  }
0xb: {  	_ =	strace $0x8000004A;
	s30 =	sshrl.u32 s29, $0x1;
	s9 =	sor.u32 s2, s6  }
0xc: {  	s7 =	sadd.s32 s8, s7;
	s31 =	sshrl.u32 s28, $0x2;
	s10 =	smul.u32 $0x2800, s9  }
0xd: {  	s15 =	ssub.s32 s29, s30;
	s11 =	smul.u32 $0x500, s9;
	s7 =	sshrl.u32 s7, $0x3  }
0xe: {  	s15 =	smax.u32 s15, $0x1;
	s14 =	sadd.s32 s7, s5;
	s5 =	sadd.s32 s31, s1  }
0xf: {  	s16 =	sshrl.u32 s10, $0x3;
	s10 =	sadd.s32 s12, s11;
	s11 =	sadd.s32 s13, s11  }
0x10: {  	s6 =	sadd.s32 $0x4000, s5;
	s7 =	sadd.s32 $0x8000, s5;
	s8 =	sadd.s32 $0xC000, s5  }
0x11: {  	s9 =	sadd.s32 $0x10000, s5;
	s16 =	sadd.s32 $0x280, s16;
	s14 =	sadd.s32 $0x3E600, s14  }
0x12: {  	v0 =	vimm.f32 $0.0e+00;
	s12 =	sadd.s32 s12, s16;
	s13 =	sadd.s32 s13, s16;
	s16 =	simm.s32 $0x2800  }
.LBB2_1:
0x13: {  	s28 =	simm.s32 $0x0;
	s29 =	simm.s32 $0x200  }
.LBB2_2:
0x14: {  	p0 =	sne.s32 s29, $0xFE00;
	[tilespmem:s28+$0x2870] =	vst v0  }
0x15: {  	[tilespmem:s28+$0x2800] =	vst v0  }
0x16: {  	[tilespmem:s28+$0x2810] =	vst v0  }
.Ltmp0:
0x17: {  	[tilespmem:s28+$0x2820] =	vst v0;
	(pc) =	sbr.rel @p0 .LBB2_2-.Ltmp0, $4  }
0x18: {  	[tilespmem:s28+$0x2830] =	vst v0  }
0x19: {  	[tilespmem:s28+$0x2840] =	vst v0  }
0x1a: {  	[tilespmem:s28+$0x2850] =	vst v0  }
0x1b: {  	[tilespmem:s28+$0x2860] =	vst v0;
	s28 =	sshra.s32 s29, $0x2;
	s29 =	sadd.s32 $0x200, s29  }
0x1c: {  	[tilespmem:s28+$0x2870] =	vst v0  }
0x1d: {  	[tilespmem:s28+$0x2800] =	vst v0  }
0x1e: {  	[tilespmem:s28+$0x2810] =	vst v0  }
0x1f: {  	[tilespmem:s28+$0x2820] =	vst v0  }
0x20: {  	[tilespmem:s28+$0x2830] =	vst v0  }
0x21: {  	[tilespmem:s28+$0x2840] =	vst v0  }
0x22: {  	[tilespmem:s28+$0x2850] =	vst v0  }
0x23: {  	[tilespmem:s28+$0x2860] =	vst v0  }
0x24: {  	[spmem:s5] =	stream.linear.scatter [tilespmem:s16], [sflag:$0x5], $0x4000, $0x38;
	[tilespmem:$0x1E800] =	vst v63  }
0x25: {  	_ =	swait.ge [sflag:s17], $0x4000  }
0x26: {  	[sflag:s17] =	ssyncset.done $0x0  }
0x27: {  	[sflag:s17] =	ssyncadd.s32 $0xFFFFC000  }
0x28: {  	[spmem:s6] =	stream.linear.scatter [tilespmem:s16], [sflag:$0x5], $0x4000, $0x38;
	[tilespmem:$0x1E800] =	vst v63  }
0x29: {  	_ =	swait.ge [sflag:s17], $0x4000  }
0x2a: {  	[sflag:s17] =	ssyncset.done $0x0  }
0x2b: {  	[sflag:s17] =	ssyncadd.s32 $0xFFFFC000  }
0x2c: {  	[spmem:s7] =	stream.linear.scatter [tilespmem:s16], [sflag:$0x5], $0x4000, $0x38;
	[tilespmem:$0x1E800] =	vst v63  }
0x2d: {  	_ =	swait.ge [sflag:s17], $0x4000  }
0x2e: {  	[sflag:s17] =	ssyncset.done $0x0  }
0x2f: {  	[sflag:s17] =	ssyncadd.s32 $0xFFFFC000  }
0x30: {  	[spmem:s8] =	stream.linear.scatter [tilespmem:s16], [sflag:$0x5], $0x4000, $0x38;
	[tilespmem:$0x1E800] =	vst v63  }
0x31: {  	_ =	swait.ge [sflag:s17], $0x4000  }
0x32: {  	[sflag:s17] =	ssyncset.done $0x0  }
0x33: {  	[sflag:s17] =	ssyncadd.s32 $0xFFFFC000  }
0x34: {  	[spmem:s9] =	stream.linear.scatter [tilespmem:s16], [sflag:$0x5], $0x4000, $0x38;
	[tilespmem:$0x1E800] =	vst v63  }
0x35: {  	_ =	swait.ge [sflag:s17], $0x4000  }
0x36: {  	[sflag:s17] =	ssyncset.done $0x0  }
0x37: {  	[sflag:s17] =	ssyncadd.s32 $0xFFFFC000  }
0x38: {  	s28 =	simm.s32 $0x0;
	[bflag:$0x0] =	sbarrier.arrive $0xFFFF  }
0x39: {  	[tilespmem:s28], [sflag:$0x5] =	stream.linear.gather [hbm4b:s10+s28], $0x1400, $0x38;
	[tilespmem:$0x1E800] =	vst v63  }
0x3a: {  	_ =	swait.ge [sflag:s17], $0x1400  }
0x3b: {  	[sflag:s17] =	ssyncset.done $0x0  }
0x3c: {  	[sflag:s17] =	ssyncadd.s32 $0xFFFFEC00  }
0x3d: {  	[tilespmem:s18], [sflag:$0x5] =	stream.linear.gather [hbm4b:s11+s28], $0x1400, $0x38;
	[tilespmem:$0x1E800] =	vst v63  }
0x3e: {  	_ =	swait.ge [sflag:s17], $0x1400  }
0x3f: {  	[sflag:s17] =	ssyncset.done $0x0  }
0x40: {  	[sflag:s17] =	ssyncadd.s32 $0xFFFFEC00  }
0x41: {  	[tilespmem:s16], [sflag:$0x1] =	stream.indirect.gather [hbm4b:s4+s19], $0x80, s28, s19, $0xb8;
	[tilespmem:$0x1E800] =	vst v63  }
0x42: {  	_ = 	snop  }
0x43: {  	[tilespmem:s20], [sflag:$0x2] =	stream.indirect.gather [hbm4b:s4+s19], $0x80, s19, s19, $0xb8;
	[tilespmem:$0x1E800] =	vst v63  }
0x44: {  	_ =	swait.ge [sflag:s21], $0x4000  }
0x45: {  	[sflag:s21] =	ssyncset.done $0x0  }
0x46: {  	s28 =	simm.s32 $0x1400;
	[sflag:s21] =	ssyncadd.s32 $0xFFFFC000  }
0x47: {  	[spmem:s1] =	stream.indirect.scatter.add.f32 [tilespmem:s16], [sflag:$0x3], $0x80, s28, s19, $0xb8;
	[tilespmem:$0x1E800] =	vst v63  }
0x48: {  	_ =	swait.ge [sflag:s22], $0x4000  }
0x49: {  	[sflag:s22] =	ssyncset.done $0x0  }
0x4a: {  	s28 =	simm.s32 $0x100;
	[sflag:s22] =	ssyncadd.s32 $0xFFFFC000  }
0x4b: {  	[tilespmem:s16], [sflag:$0x1] =	stream.indirect.gather [hbm4b:s4+s19], $0x80, s28, s19, $0xb8;
	[tilespmem:$0x1E800] =	vst v63  }
0x4c: {  	_ =	swait.ge [sflag:s23], $0x4000  }
0x4d: {  	[sflag:s23] =	ssyncset.done $0x0  }
0x4e: {  	s28 =	simm.s32 $0x1480;
	[sflag:s23] =	ssyncadd.s32 $0xFFFFC000  }
0x4f: {  	[spmem:s1] =	stream.indirect.scatter.add.f32 [tilespmem:s20], [sflag:$0x4], $0x80, s28, s19, $0xb8;
	[tilespmem:$0x1E800] =	vst v63  }
0x50: {  	_ =	swait.ge [sflag:s24], $0x4000  }
0x51: {  	[sflag:s24] =	ssyncset.done $0x0  }
0x52: {  	s29 =	simm.s32 $0x180;
	s28 =	simm.s32 $0x400;
	[sflag:s24] =	ssyncadd.s32 $0xFFFFC000  }
.LBB2_4:
0x53: {  	[tilespmem:s20], [sflag:$0x2] =	stream.indirect.gather [hbm4b:s4+s19], $0x80, s29, s19, $0xb8;
	[tilespmem:$0x1E800] =	vst v63  }
0x54: {  	s29 =	smov.u32 s28  }
0x55: {  	p0 =	sne.s32 s28, $0x4800;
	s28 =	sadd.s32 $0x400, s28;
	_ =	swait.ge [sflag:s21], $0x4000  }
0x56: {  	s29 =	sshra.s32 s29, $0x2;
	[sflag:s21] =	ssyncset.done $0x0  }
0x57: {  	s30 =	sadd.s32 $0x1400, s29;
	[sflag:s21] =	ssyncadd.s32 $0xFFFFC000  }
0x58: {  	[spmem:s1] =	stream.indirect.scatter.add.f32 [tilespmem:s16], [sflag:$0x3], $0x80, s30, s19, $0xb8;
	[tilespmem:$0x1E800] =	vst v63  }
0x59: {  	_ =	swait.ge [sflag:s22], $0x4000  }
0x5a: {  	[sflag:s22] =	ssyncset.done $0x0  }
0x5b: {  	s30 =	sadd.s32 $0x100, s29;
	[sflag:s22] =	ssyncadd.s32 $0xFFFFC000  }
0x5c: {  	[tilespmem:s16], [sflag:$0x1] =	stream.indirect.gather [hbm4b:s4+s19], $0x80, s30, s19, $0xb8;
	[tilespmem:$0x1E800] =	vst v63  }
0x5d: {  	_ =	swait.ge [sflag:s23], $0x4000  }
0x5e: {  	[sflag:s23] =	ssyncset.done $0x0  }
.Ltmp1:
0x5f: {  	s30 =	sadd.s32 $0x1480, s29;
	[sflag:s23] =	ssyncadd.s32 $0xFFFFC000;
	(pc) =	sbr.rel @p0 .LBB2_4-.Ltmp1, $4  }
0x60: {  	[spmem:s1] =	stream.indirect.scatter.add.f32 [tilespmem:s20], [sflag:$0x4], $0x80, s30, s19, $0xb8;
	[tilespmem:$0x1E800] =	vst v63  }
0x61: {  	_ =	swait.ge [sflag:s24], $0x4000  }
0x62: {  	[sflag:s24] =	ssyncset.done $0x0  }
0x63: {  	s29 =	sadd.s32 $0x180, s29;
	[sflag:s24] =	ssyncadd.s32 $0xFFFFC000  }
0x64: {  	[tilespmem:s20], [sflag:$0x2] =	stream.indirect.gather [hbm4b:s4+s19], $0x80, s29, s19, $0xb8;
	[tilespmem:$0x1E800] =	vst v63  }
0x65: {  	_ =	swait.ge [sflag:s21], $0x4000  }
0x66: {  	[sflag:s21] =	ssyncset.done $0x0  }
0x67: {  	[sflag:s21] =	ssyncadd.s32 $0xFFFFC000  }
0x68: {  	[spmem:s1] =	stream.indirect.scatter.add.f32 [tilespmem:s16], [sflag:$0x3], $0x80, s25, s19, $0xb8;
	[tilespmem:$0x1E800] =	vst v63  }
0x69: {  	_ =	swait.ge [sflag:s23], $0x4000  }
0x6a: {  	[sflag:s23] =	ssyncset.done $0x0  }
0x6b: {  	[sflag:s23] =	ssyncadd.s32 $0xFFFFC000  }
0x6c: {  	[spmem:s1] =	stream.indirect.scatter.add.f32 [tilespmem:s20], [sflag:$0x4], $0x80, s26, s19, $0xb8;
	[tilespmem:$0x1E800] =	vst v63  }
0x6d: {  	_ =	swait.ge [sflag:s22], $0x4000  }
0x6e: {  	[sflag:s22] =	ssyncset.done $0x0  }
0x6f: {  	[sflag:s22] =	ssyncadd.s32 $0xFFFFC000  }
0x70: {  	_ =	swait.ge [sflag:s24], $0x4000  }
0x71: {  	[sflag:s24] =	ssyncset.done $0x0  }
0x72: {  	s28 =	simm.s32 $0x0;
	[sflag:s24] =	ssyncadd.s32 $0xFFFFC000  }
0x73: {  	[tilespmem:s28], [sflag:$0x5] =	stream.linear.gather [hbm4b:s12+s28], $0x1400, $0x38;
	[tilespmem:$0x1E800] =	vst v63  }
0x74: {  	_ =	swait.ge [sflag:s17], $0x1400  }
0x75: {  	[sflag:s17] =	ssyncset.done $0x0  }
0x76: {  	[sflag:s17] =	ssyncadd.s32 $0xFFFFEC00  }
0x77: {  	[tilespmem:s18], [sflag:$0x5] =	stream.linear.gather [hbm4b:s13+s28], $0x1400, $0x38;
	[tilespmem:$0x1E800] =	vst v63  }
0x78: {  	_ =	swait.ge [sflag:s17], $0x1400  }
0x79: {  	[sflag:s17] =	ssyncset.done $0x0  }
0x7a: {  	[sflag:s17] =	ssyncadd.s32 $0xFFFFEC00  }
0x7b: {  	[tilespmem:s16], [sflag:$0x1] =	stream.indirect.gather [hbm4b:s4+s19], $0x80, s28, s19, $0xb8;
	[tilespmem:$0x1E800] =	vst v63  }
0x7c: {  	_ = 	snop  }
0x7d: {  	[tilespmem:s20], [sflag:$0x2] =	stream.indirect.gather [hbm4b:s4+s19], $0x80, s19, s19, $0xb8;
	[tilespmem:$0x1E800] =	vst v63  }
0x7e: {  	_ =	swait.ge [sflag:s21], $0x4000  }
0x7f: {  	[sflag:s21] =	ssyncset.done $0x0  }
0x80: {  	s28 =	simm.s32 $0x1400;
	[sflag:s21] =	ssyncadd.s32 $0xFFFFC000  }
0x81: {  	[spmem:s1] =	stream.indirect.scatter.add.f32 [tilespmem:s16], [sflag:$0x3], $0x80, s28, s19, $0xb8;
	[tilespmem:$0x1E800] =	vst v63  }
0x82: {  	_ =	swait.ge [sflag:s22], $0x4000  }
0x83: {  	[sflag:s22] =	ssyncset.done $0x0  }
0x84: {  	s28 =	simm.s32 $0x100;
	[sflag:s22] =	ssyncadd.s32 $0xFFFFC000  }
0x85: {  	[tilespmem:s16], [sflag:$0x1] =	stream.indirect.gather [hbm4b:s4+s19], $0x80, s28, s19, $0xb8;
	[tilespmem:$0x1E800] =	vst v63  }
0x86: {  	_ =	swait.ge [sflag:s23], $0x4000  }
0x87: {  	[sflag:s23] =	ssyncset.done $0x0  }
0x88: {  	s28 =	simm.s32 $0x1480;
	[sflag:s23] =	ssyncadd.s32 $0xFFFFC000  }
0x89: {  	[spmem:s1] =	stream.indirect.scatter.add.f32 [tilespmem:s20], [sflag:$0x4], $0x80, s28, s19, $0xb8;
	[tilespmem:$0x1E800] =	vst v63  }
0x8a: {  	_ =	swait.ge [sflag:s24], $0x4000  }
0x8b: {  	[sflag:s24] =	ssyncset.done $0x0  }
0x8c: {  	s29 =	simm.s32 $0x180;
	s28 =	simm.s32 $0x400;
	[sflag:s24] =	ssyncadd.s32 $0xFFFFC000  }
.LBB2_6:
0x8d: {  	[tilespmem:s20], [sflag:$0x2] =	stream.indirect.gather [hbm4b:s4+s19], $0x80, s29, s19, $0xb8;
	[tilespmem:$0x1E800] =	vst v63  }
0x8e: {  	s29 =	smov.u32 s28  }
0x8f: {  	p0 =	sne.s32 s28, $0x4800;
	s28 =	sadd.s32 $0x400, s28;
	_ =	swait.ge [sflag:s21], $0x4000  }
0x90: {  	s29 =	sshra.s32 s29, $0x2;
	[sflag:s21] =	ssyncset.done $0x0  }
0x91: {  	s30 =	sadd.s32 $0x1400, s29;
	[sflag:s21] =	ssyncadd.s32 $0xFFFFC000  }
0x92: {  	[spmem:s1] =	stream.indirect.scatter.add.f32 [tilespmem:s16], [sflag:$0x3], $0x80, s30, s19, $0xb8;
	[tilespmem:$0x1E800] =	vst v63  }
0x93: {  	_ =	swait.ge [sflag:s22], $0x4000  }
0x94: {  	[sflag:s22] =	ssyncset.done $0x0  }
0x95: {  	s30 =	sadd.s32 $0x100, s29;
	[sflag:s22] =	ssyncadd.s32 $0xFFFFC000  }
0x96: {  	[tilespmem:s16], [sflag:$0x1] =	stream.indirect.gather [hbm4b:s4+s19], $0x80, s30, s19, $0xb8;
	[tilespmem:$0x1E800] =	vst v63  }
0x97: {  	_ =	swait.ge [sflag:s23], $0x4000  }
0x98: {  	[sflag:s23] =	ssyncset.done $0x0  }
.Ltmp2:
0x99: {  	s30 =	sadd.s32 $0x1480, s29;
	[sflag:s23] =	ssyncadd.s32 $0xFFFFC000;
	(pc) =	sbr.rel @p0 .LBB2_6-.Ltmp2, $4  }
0x9a: {  	[spmem:s1] =	stream.indirect.scatter.add.f32 [tilespmem:s20], [sflag:$0x4], $0x80, s30, s19, $0xb8;
	[tilespmem:$0x1E800] =	vst v63  }
0x9b: {  	_ =	swait.ge [sflag:s24], $0x4000  }
0x9c: {  	[sflag:s24] =	ssyncset.done $0x0  }
0x9d: {  	s29 =	sadd.s32 $0x180, s29;
	[sflag:s24] =	ssyncadd.s32 $0xFFFFC000  }
0x9e: {  	[tilespmem:s20], [sflag:$0x2] =	stream.indirect.gather [hbm4b:s4+s19], $0x80, s29, s19, $0xb8;
	[tilespmem:$0x1E800] =	vst v63  }
0x9f: {  	_ =	swait.ge [sflag:s21], $0x4000  }
0xa0: {  	[sflag:s21] =	ssyncset.done $0x0  }
0xa1: {  	[sflag:s21] =	ssyncadd.s32 $0xFFFFC000  }
0xa2: {  	[spmem:s1] =	stream.indirect.scatter.add.f32 [tilespmem:s16], [sflag:$0x3], $0x80, s25, s19, $0xb8;
	[tilespmem:$0x1E800] =	vst v63  }
0xa3: {  	_ =	swait.ge [sflag:s23], $0x4000  }
0xa4: {  	[sflag:s23] =	ssyncset.done $0x0  }
0xa5: {  	[sflag:s23] =	ssyncadd.s32 $0xFFFFC000  }
0xa6: {  	[spmem:s1] =	stream.indirect.scatter.add.f32 [tilespmem:s20], [sflag:$0x4], $0x80, s26, s19, $0xb8;
	[tilespmem:$0x1E800] =	vst v63  }
0xa7: {  	_ =	swait.ge [sflag:s22], $0x4000  }
0xa8: {  	[sflag:s22] =	ssyncset.done $0x0  }
0xa9: {  	[sflag:s22] =	ssyncadd.s32 $0xFFFFC000  }
0xaa: {  	_ =	swait.ge [sflag:s24], $0x4000  }
0xab: {  	s28 =	sshll.u32 s2, $0x6;
	s3 =	sadd.s32 $0x1, s3;
	[sflag:s24] =	ssyncset.done $0x0  }
0xac: {  	s31 =	sshrl.u32 s5, $0x3;
	p0 =	sne.s32 s3, s15;
	[sflag:s24] =	ssyncadd.s32 $0xFFFFC000  }
.Ltmp3:
0xad: {  	s28 =	sor.u32 $0x1C05, s28;
	[bflag:$0x0] =	sbarrier.arrive $0xFFFF;
	(pc) =	sbr.rel @p0 .LBB2_1-.Ltmp3, $4  }
0xae: {  	[hbm:s14], [sflag:s28] =	dma.local [spmem:s31], $0x2800  }
0xaf: {  	_ =	swait.ge [sflag:s17], $0x2800  }
0xb0: {  	[sflag:s17] =	ssyncset.done $0x0  }
0xb1: {  	[sflag:s17] =	ssyncadd.s32 $0xFFFFD800  }
0xb2: {  	_ =	sfence.sel $0x180000  }
0xb3: {  	[bflag:$0x0] =	sbarrier.arrive $0xFFFF  }
0xb4: {  	p0 =	sne.s32 s2, $0x0;
	_ =	strace $0x9000004A  }
0xb5: {  	s0 =	sadd.s32 @!p0 $0x100000, s0;
	[bflag:$0x2] =	sbarrier.arrive $0xFFFF  }
0xb6: {  	[sflag:s0] =	ssyncadd.tile.s32 @!p0 $0x1;
	_ =	shalt  }
.Lfunc_end2:
_tile_overlayer_lowered:
.L_overlay_start_2:
0xb7: {  	(tag) =	ssettag $0x2  }
0xb8: {  	s0 =	rddreg [dreg:$0x0];
	s2 =	stileid.u32  }
0xb9: {  	s1 =	rddreg [dreg:$0x1];
	p0 =	sne.s32 s2, $0x0  }
0xba: {  	s3 =	rddreg [dreg:$0x2];
	[bflag:$0x3] =	sbarrier.arrive $0xFFFF;
	s2 =	simm.s32 @!p0 $0x1C05  }
0xbb: {  	[timem:s3], [sflag:s2] =	dma.local @!p0 [hbm:s0], s1  }
0xbc: {  	s0 =	simm.s32 @!p0 $0x5  }
0xbd: {  	_ =	swait.ge @!p0 [sflag:s0], s1  }
0xbe: {  	s1 =	ssub.s32 @!p0 $0x0, s1;
	[sflag:s0] =	ssyncset.done @!p0 $0x0  }
0xbf: {  	[sflag:s0] =	ssyncadd.s32 @!p0 s1  }
0xc0: {  	[bflag:$0x3] =	sbarrier.arrive $0xFFFF  }
0xc1: {  	_ =	shalt  }

</sc_bundles>
